<compile_context>
chip_gen: v7x
topology: tpu7x:2x2x1
jax: 0.10.2.dev20260603
libtpu: 0.0.44.dev20260713+nightly
codegen_flags: <defaults>
</compile_context>

<pallas_src>
import dataclasses
import functools

import jax
import jax.numpy as jnp
from jax import lax
from jax.experimental import pallas as pl
from jax.experimental.pallas import tpu as pltpu
from jax.experimental.pallas import tpu_sc as plsc

ROWS = 8192
COLS = 4096
NUM_CORES = 2
NUM_SUBCORES = 16
NUM_WORKERS = NUM_CORES * NUM_SUBCORES
ROWS_PER_WORKER = ROWS // NUM_WORKERS
CHUNK = 2
NBUF = 4
NCHUNKS = ROWS_PER_WORKER // CHUNK
LANES = 16


def _compiler_params():
    cp = pltpu.CompilerParams()
    if "needs_layout_passes" in pltpu.CompilerParams.__dataclass_fields__:
        cp = dataclasses.replace(cp, needs_layout_passes=False)
    return cp


def _permute_sc(x, perm):
    mesh = plsc.VectorSubcoreMesh(
        core_axis_name="c", subcore_axis_name="s")

    @functools.partial(
        pl.kernel,
        compiler_params=_compiler_params(),
        out_type=jax.ShapeDtypeStruct((ROWS, COLS), jnp.float32),
        mesh=mesh,
        scratch_types=[
            pltpu.VMEM((COLS,), jnp.int32),
            pltpu.VMEM((NBUF, CHUNK, COLS), jnp.float32),
            pltpu.VMEM((NBUF, CHUNK, COLS), jnp.float32),
            pltpu.SemaphoreType.DMA((NBUF,)),
            pltpu.SemaphoreType.DMA((NBUF,)),
        ],
    )
    def run(x_hbm, perm_hbm, out_hbm, idx_v, in_b, out_b, in_sems, out_sems):
        wid = lax.axis_index("s") * NUM_CORES + lax.axis_index("c")
        base = wid * ROWS_PER_WORKER
        pltpu.sync_copy(perm_hbm, idx_v)

        def in_copy(c, b):
            return pltpu.make_async_copy(
                x_hbm.at[pl.ds(base + c * CHUNK, CHUNK)],
                in_b.at[b], in_sems.at[b])

        def out_copy(c, b):
            return pltpu.make_async_copy(
                out_b.at[b],
                out_hbm.at[pl.ds(base + c * CHUNK, CHUNK)], out_sems.at[b])

        def compute(c, b):
            @plsc.parallel_loop(0, COLS, LANES, unroll=8)
            def _col(j):
                idx = idx_v[pl.ds(j, LANES)]
                for r in range(CHUNK):
                    row = jnp.full((LANES,), r, jnp.int32)
                    g = plsc.load_gather(in_b.at[b], [row, idx])
                    out_b[b, r, pl.ds(j, LANES)] = g

        MAIN_TAIL = NCHUNKS % NBUF
        NMAIN = NCHUNKS - MAIN_TAIL

        for b in range(NBUF):
            in_copy(b, b).start()

        @pl.loop(0, NMAIN, step=NBUF)
        def _group(c0):
            for b in range(NBUF):
                c = c0 + b
                in_copy(c, b).wait()

                @pl.when(c0 > 0)
                def _wait_out():
                    out_copy(c - NBUF, b).wait()

                compute(c, b)
                out_copy(c, b).start()

                @pl.when(c + NBUF < NMAIN)
                def _next_in():
                    in_copy(c + NBUF, b).start()

        for t in range(MAIN_TAIL):
            c = NMAIN + t
            b = c % NBUF
            in_copy(c, b).start()
            in_copy(c, b).wait()
            out_copy(c - NBUF, b).wait()
            compute(c, b)
            out_copy(c, b).start()

        for c in range(NCHUNKS - NBUF, NCHUNKS):
            out_copy(c, c % NBUF).wait()

    return run(x, perm)


def kernel(x, perm_tensor, perm_inv_tensor):
    del perm_inv_tensor
    perm = perm_tensor.astype(jnp.int32)
    return _permute_sc(x, perm)

# --- scband reference (transcript-rebuilt; emitter-appended) ---
"""Pipeline reference for scband-permute-random-63702954934514 (READ-ONLY COPY).

The authoritative reference and input builder live on the scoring server;
editing this copy changes nothing except your own understanding.
"""

import jax, jax.numpy as jnp
import numpy as np

IN_CHANNELS = 4096
SEED = 0

def setup_inputs(seed: int = 0) -> dict:
    key = jax.random.key(seed)
    x = jax.random.normal(key, (8192, IN_CHANNELS), dtype=jnp.float32)
    np.random.seed(SEED)
    perm = np.random.permutation(IN_CHANNELS)
    perm_inv = np.zeros_like(perm)
    for i, p in enumerate(perm):
        perm_inv[p] = i
    return {
        "x": x,
        "perm_tensor": jnp.asarray(perm, dtype=jnp.int64),
        "perm_inv_tensor": jnp.asarray(perm_inv, dtype=jnp.int64),
    }

def reference(x, perm_tensor, perm_inv_tensor):
    # PermuteRandom.forward with rev=False: x[:, perm]
    return jnp.take(x, perm_tensor, axis=1)

if __name__ == "__main__":
    import jax
    _d = setup_inputs()
    print(jax.jit(kernel)(*tuple(_d.values())))

</pallas_src>

<mosaic_0001>
#map = affine_map<(d0, d1) -> (0, 0)>
#map1 = affine_map<(d0, d1) -> (0)>
module attributes {stable_mosaic.version = 14 : i64} {
  func.func @run(%arg0: i32, %arg1: i32, %arg2: memref<8192x4096xf32, #tpu.memory_space<hbm>>, %arg3: memref<4096xi32, #tpu.memory_space<hbm>>, %arg4: memref<8192x4096xf32, #tpu.memory_space<hbm>>, %arg5: memref<4096xi32, #tpu.memory_space<vmem>>, %arg6: memref<4x2x4096xf32, #tpu.memory_space<vmem>>, %arg7: memref<4x2x4096xf32, #tpu.memory_space<vmem>>, %arg8: memref<4x!tpu.dma_semaphore, #tpu.memory_space<semaphore_mem>>, %arg9: memref<4x!tpu.dma_semaphore, #tpu.memory_space<semaphore_mem>>) attributes {dimension_semantics = [#tpu.dimension_semantics<core_parallel>, #tpu.dimension_semantics<subcore_parallel>], iteration_bounds = array<i64: 2, 16>, scalar_prefetch = 0 : i64, scratch_operands = 5 : i64, tpu.core_type = #tpu.core_type<sc_vector_subcore>, window_params = [{transform_indices = #map}, {transform_indices = #map1}, {transform_indices = #map}]} {
    %mul3A = arith.constant 2 : i32
    %mul3A_0 = arith.muli %arg1, %mul3A : i32
    %add3A = arith.addi %mul3A_0, %arg0 : i32
    %mul3A_1 = arith.constant 256 : i32
    %mul3A_2 = arith.muli %add3A, %mul3A_1 : i32
    "tpu.region"() ({
      %run_scoped3A = tpu.sem_alloc : memref<!tpu.dma_semaphore, #tpu.memory_space<semaphore_mem>>
      tpu.enqueue_dma source(%arg3 : memref<4096xi32, #tpu.memory_space<hbm>>) target(%arg5 : memref<4096xi32, #tpu.memory_space<vmem>>) target_semaphore(%run_scoped3A : memref<!tpu.dma_semaphore, #tpu.memory_space<semaphore_mem>>)
      tpu.wait_dma2 semaphore(%run_scoped3A : memref<!tpu.dma_semaphore, #tpu.memory_space<semaphore_mem>>) src(%arg3 : memref<4096xi32, #tpu.memory_space<hbm>>) dst(%arg5 : memref<4096xi32, #tpu.memory_space<vmem>>)
      tpu.yield
    }) : () -> ()
    %add3A_3 = arith.constant 0 : i32
    %add3A_4 = arith.addi %mul3A_2, %add3A_3 : i32
    %dma_start3A = arith.constant 0 : i32
    %dma_start3A_5 = arith.constant 0 : i32
    %dma_start3A_6 = arith.constant 0 : i32
    %dma_start3A_7 = arith.constant 0 : i32
    %dma_start3A_8 = tpu.memref_slice %arg6[%dma_start3A, %dma_start3A_6, %dma_start3A_7] : memref<4x2x4096xf32, #tpu.memory_space<vmem>> -> memref<1x2x4096xf32, #tpu.memory_space<vmem>>
    %dma_start3A_9 = tpu.memref_squeeze %dma_start3A_8 : memref<1x2x4096xf32, #tpu.memory_space<vmem>> -> memref<2x4096xf32, #tpu.memory_space<vmem>>
    %dma_start3A_10 = arith.constant 0 : i32
    %dma_start3A_11 = tpu.memref_slice %arg2[%add3A_4, %dma_start3A_10] : memref<8192x4096xf32, #tpu.memory_space<hbm>> -> memref<2x4096xf32, #tpu.memory_space<hbm>>
    %dma_start3A_12 = tpu.memref_slice %arg8[%dma_start3A_5] : memref<4x!tpu.dma_semaphore, #tpu.memory_space<semaphore_mem>> -> memref<1x!tpu.dma_semaphore, #tpu.memory_space<semaphore_mem>>
    %dma_start3A_13 = tpu.memref_squeeze %dma_start3A_12 : memref<1x!tpu.dma_semaphore, #tpu.memory_space<semaphore_mem>> -> memref<!tpu.dma_semaphore, #tpu.memory_space<semaphore_mem>>
    %dma_start3A_14 = arith.constant 0 : i32
    %dma_start3A_15 = arith.constant 0 : i32
    %dma_start3A_16 = tpu.memref_slice %arg6[%dma_start3A, %dma_start3A_14, %dma_start3A_15] : memref<4x2x4096xf32, #tpu.memory_space<vmem>> -> memref<1x2x4096xf32, #tpu.memory_space<vmem>>
    %dma_start3A_17 = tpu.memref_squeeze %dma_start3A_16 : memref<1x2x4096xf32, #tpu.memory_space<vmem>> -> memref<2x4096xf32, #tpu.memory_space<vmem>>
    %dma_start3A_18 = arith.constant 0 : i32
    %dma_start3A_19 = tpu.memref_slice %arg2[%add3A_4, %dma_start3A_18] : memref<8192x4096xf32, #tpu.memory_space<hbm>> -> memref<2x4096xf32, #tpu.memory_space<hbm>>
    tpu.enqueue_dma source(%dma_start3A_19 : memref<2x4096xf32, #tpu.memory_space<hbm>>) target(%dma_start3A_17 : memref<2x4096xf32, #tpu.memory_space<vmem>>) target_semaphore(%dma_start3A_13 : memref<!tpu.dma_semaphore, #tpu.memory_space<semaphore_mem>>)
    %add3A_20 = arith.constant 2 : i32
    %add3A_21 = arith.addi %mul3A_2, %add3A_20 : i32
    %dma_start3A_22 = arith.constant 1 : i32
    %dma_start3A_23 = arith.constant 1 : i32
    %dma_start3A_24 = arith.constant 0 : i32
    %dma_start3A_25 = arith.constant 0 : i32
    %dma_start3A_26 = tpu.memref_slice %arg6[%dma_start3A_22, %dma_start3A_24, %dma_start3A_25] : memref<4x2x4096xf32, #tpu.memory_space<vmem>> -> memref<1x2x4096xf32, #tpu.memory_space<vmem>>
    %dma_start3A_27 = tpu.memref_squeeze %dma_start3A_26 : memref<1x2x4096xf32, #tpu.memory_space<vmem>> -> memref<2x4096xf32, #tpu.memory_space<vmem>>
    %dma_start3A_28 = arith.constant 0 : i32
    %dma_start3A_29 = tpu.memref_slice %arg2[%add3A_21, %dma_start3A_28] : memref<8192x4096xf32, #tpu.memory_space<hbm>> -> memref<2x4096xf32, #tpu.memory_space<hbm>>
    %dma_start3A_30 = tpu.memref_slice %arg8[%dma_start3A_23] : memref<4x!tpu.dma_semaphore, #tpu.memory_space<semaphore_mem>> -> memref<1x!tpu.dma_semaphore, #tpu.memory_space<semaphore_mem>>
    %dma_start3A_31 = tpu.memref_squeeze %dma_start3A_30 : memref<1x!tpu.dma_semaphore, #tpu.memory_space<semaphore_mem>> -> memref<!tpu.dma_semaphore, #tpu.memory_space<semaphore_mem>>
    %dma_start3A_32 = arith.constant 0 : i32
    %dma_start3A_33 = arith.constant 0 : i32
    %dma_start3A_34 = tpu.memref_slice %arg6[%dma_start3A_22, %dma_start3A_32, %dma_start3A_33] : memref<4x2x4096xf32, #tpu.memory_space<vmem>> -> memref<1x2x4096xf32, #tpu.memory_space<vmem>>
    %dma_start3A_35 = tpu.memref_squeeze %dma_start3A_34 : memref<1x2x4096xf32, #tpu.memory_space<vmem>> -> memref<2x4096xf32, #tpu.memory_space<vmem>>
    %dma_start3A_36 = arith.constant 0 : i32
    %dma_start3A_37 = tpu.memref_slice %arg2[%add3A_21, %dma_start3A_36] : memref<8192x4096xf32, #tpu.memory_space<hbm>> -> memref<2x4096xf32, #tpu.memory_space<hbm>>
    tpu.enqueue_dma source(%dma_start3A_37 : memref<2x4096xf32, #tpu.memory_space<hbm>>) target(%dma_start3A_35 : memref<2x4096xf32, #tpu.memory_space<vmem>>) target_semaphore(%dma_start3A_31 : memref<!tpu.dma_semaphore, #tpu.memory_space<semaphore_mem>>)
    %add3A_38 = arith.constant 4 : i32
    %add3A_39 = arith.addi %mul3A_2, %add3A_38 : i32
    %dma_start3A_40 = arith.constant 2 : i32
    %dma_start3A_41 = arith.constant 2 : i32
    %dma_start3A_42 = arith.constant 0 : i32
    %dma_start3A_43 = arith.constant 0 : i32
    %dma_start3A_44 = tpu.memref_slice %arg6[%dma_start3A_40, %dma_start3A_42, %dma_start3A_43] : memref<4x2x4096xf32, #tpu.memory_space<vmem>> -> memref<1x2x4096xf32, #tpu.memory_space<vmem>>
    %dma_start3A_45 = tpu.memref_squeeze %dma_start3A_44 : memref<1x2x4096xf32, #tpu.memory_space<vmem>> -> memref<2x4096xf32, #tpu.memory_space<vmem>>
    %dma_start3A_46 = arith.constant 0 : i32
    %dma_start3A_47 = tpu.memref_slice %arg2[%add3A_39, %dma_start3A_46] : memref<8192x4096xf32, #tpu.memory_space<hbm>> -> memref<2x4096xf32, #tpu.memory_space<hbm>>
    %dma_start3A_48 = tpu.memref_slice %arg8[%dma_start3A_41] : memref<4x!tpu.dma_semaphore, #tpu.memory_space<semaphore_mem>> -> memref<1x!tpu.dma_semaphore, #tpu.memory_space<semaphore_mem>>
    %dma_start3A_49 = tpu.memref_squeeze %dma_start3A_48 : memref<1x!tpu.dma_semaphore, #tpu.memory_space<semaphore_mem>> -> memref<!tpu.dma_semaphore, #tpu.memory_space<semaphore_mem>>
    %dma_start3A_50 = arith.constant 0 : i32
    %dma_start3A_51 = arith.constant 0 : i32
    %dma_start3A_52 = tpu.memref_slice %arg6[%dma_start3A_40, %dma_start3A_50, %dma_start3A_51] : memref<4x2x4096xf32, #tpu.memory_space<vmem>> -> memref<1x2x4096xf32, #tpu.memory_space<vmem>>
    %dma_start3A_53 = tpu.memref_squeeze %dma_start3A_52 : memref<1x2x4096xf32, #tpu.memory_space<vmem>> -> memref<2x4096xf32, #tpu.memory_space<vmem>>
    %dma_start3A_54 = arith.constant 0 : i32
    %dma_start3A_55 = tpu.memref_slice %arg2[%add3A_39, %dma_start3A_54] : memref<8192x4096xf32, #tpu.memory_space<hbm>> -> memref<2x4096xf32, #tpu.memory_space<hbm>>
    tpu.enqueue_dma source(%dma_start3A_55 : memref<2x4096xf32, #tpu.memory_space<hbm>>) target(%dma_start3A_53 : memref<2x4096xf32, #tpu.memory_space<vmem>>) target_semaphore(%dma_start3A_49 : memref<!tpu.dma_semaphore, #tpu.memory_space<semaphore_mem>>)
    %add3A_56 = arith.constant 6 : i32
    %add3A_57 = arith.addi %mul3A_2, %add3A_56 : i32
    %dma_start3A_58 = arith.constant 3 : i32
    %dma_start3A_59 = arith.constant 3 : i32
    %dma_start3A_60 = arith.constant 0 : i32
    %dma_start3A_61 = arith.constant 0 : i32
    %dma_start3A_62 = tpu.memref_slice %arg6[%dma_start3A_58, %dma_start3A_60, %dma_start3A_61] : memref<4x2x4096xf32, #tpu.memory_space<vmem>> -> memref<1x2x4096xf32, #tpu.memory_space<vmem>>
    %dma_start3A_63 = tpu.memref_squeeze %dma_start3A_62 : memref<1x2x4096xf32, #tpu.memory_space<vmem>> -> memref<2x4096xf32, #tpu.memory_space<vmem>>
    %dma_start3A_64 = arith.constant 0 : i32
    %dma_start3A_65 = tpu.memref_slice %arg2[%add3A_57, %dma_start3A_64] : memref<8192x4096xf32, #tpu.memory_space<hbm>> -> memref<2x4096xf32, #tpu.memory_space<hbm>>
    %dma_start3A_66 = tpu.memref_slice %arg8[%dma_start3A_59] : memref<4x!tpu.dma_semaphore, #tpu.memory_space<semaphore_mem>> -> memref<1x!tpu.dma_semaphore, #tpu.memory_space<semaphore_mem>>
    %dma_start3A_67 = tpu.memref_squeeze %dma_start3A_66 : memref<1x!tpu.dma_semaphore, #tpu.memory_space<semaphore_mem>> -> memref<!tpu.dma_semaphore, #tpu.memory_space<semaphore_mem>>
    %dma_start3A_68 = arith.constant 0 : i32
    %dma_start3A_69 = arith.constant 0 : i32
    %dma_start3A_70 = tpu.memref_slice %arg6[%dma_start3A_58, %dma_start3A_68, %dma_start3A_69] : memref<4x2x4096xf32, #tpu.memory_space<vmem>> -> memref<1x2x4096xf32, #tpu.memory_space<vmem>>
    %dma_start3A_71 = tpu.memref_squeeze %dma_start3A_70 : memref<1x2x4096xf32, #tpu.memory_space<vmem>> -> memref<2x4096xf32, #tpu.memory_space<vmem>>
    %dma_start3A_72 = arith.constant 0 : i32
    %dma_start3A_73 = tpu.memref_slice %arg2[%add3A_57, %dma_start3A_72] : memref<8192x4096xf32, #tpu.memory_space<hbm>> -> memref<2x4096xf32, #tpu.memory_space<hbm>>
    tpu.enqueue_dma source(%dma_start3A_73 : memref<2x4096xf32, #tpu.memory_space<hbm>>) target(%dma_start3A_71 : memref<2x4096xf32, #tpu.memory_space<vmem>>) target_semaphore(%dma_start3A_67 : memref<!tpu.dma_semaphore, #tpu.memory_space<semaphore_mem>>)
    %scan3A = arith.constant 0 : i32
    %scan3A_74 = arith.constant 32 : i32
    %scan3A_75 = arith.addi %scan3A, %scan3A_74 : i32
    %scan3A_76 = arith.constant 1 : i32
    scf.for %scan3A_149 = %scan3A to %scan3A_75 step %scan3A_76  : i32 {
      %mul3A_150 = arith.constant 4 : i32
      %mul3A_151 = arith.muli %scan3A_149, %mul3A_150 : i32
      %add3A_152 = arith.constant 0 : i32
      %add3A_153 = arith.addi %add3A_152, %mul3A_151 : i32
      %add3A_154 = arith.constant 0 : i32
      %add3A_155 = arith.addi %add3A_153, %add3A_154 : i32
      %mul3A_156 = arith.constant 2 : i32
      %mul3A_157 = arith.muli %add3A_155, %mul3A_156 : i32
      %add3A_158 = arith.addi %mul3A_2, %mul3A_157 : i32
      %dma_wait3A_159 = arith.constant 0 : i32
      %dma_wait3A_160 = arith.constant 0 : i32
      %dma_wait3A_161 = arith.constant 0 : i32
      %dma_wait3A_162 = arith.constant 0 : i32
      %dma_wait3A_163 = tpu.memref_slice %arg6[%dma_wait3A_159, %dma_wait3A_161, %dma_wait3A_162] : memref<4x2x4096xf32, #tpu.memory_space<vmem>> -> memref<1x2x4096xf32, #tpu.memory_space<vmem>>
      %dma_wait3A_164 = tpu.memref_squeeze %dma_wait3A_163 : memref<1x2x4096xf32, #tpu.memory_space<vmem>> -> memref<2x4096xf32, #tpu.memory_space<vmem>>
      %dma_wait3A_165 = arith.constant 0 : i32
      %dma_wait3A_166 = tpu.memref_slice %arg2[%add3A_158, %dma_wait3A_165] : memref<8192x4096xf32, #tpu.memory_space<hbm>> -> memref<2x4096xf32, #tpu.memory_space<hbm>>
      %dma_wait3A_167 = tpu.memref_slice %arg8[%dma_wait3A_160] : memref<4x!tpu.dma_semaphore, #tpu.memory_space<semaphore_mem>> -> memref<1x!tpu.dma_semaphore, #tpu.memory_space<semaphore_mem>>
      %dma_wait3A_168 = tpu.memref_squeeze %dma_wait3A_167 : memref<1x!tpu.dma_semaphore, #tpu.memory_space<semaphore_mem>> -> memref<!tpu.dma_semaphore, #tpu.memory_space<semaphore_mem>>
      %dma_wait3A_169 = arith.constant 0 : i32
      %dma_wait3A_170 = arith.constant 0 : i32
      %dma_wait3A_171 = tpu.memref_slice %arg6[%dma_wait3A_159, %dma_wait3A_169, %dma_wait3A_170] : memref<4x2x4096xf32, #tpu.memory_space<vmem>> -> memref<1x2x4096xf32, #tpu.memory_space<vmem>>
      %dma_wait3A_172 = tpu.memref_squeeze %dma_wait3A_171 : memref<1x2x4096xf32, #tpu.memory_space<vmem>> -> memref<2x4096xf32, #tpu.memory_space<vmem>>
      %dma_wait3A_173 = arith.constant 0 : i32
      %dma_wait3A_174 = tpu.memref_slice %arg2[%add3A_158, %dma_wait3A_173] : memref<8192x4096xf32, #tpu.memory_space<hbm>> -> memref<2x4096xf32, #tpu.memory_space<hbm>>
      tpu.wait_dma2 semaphore(%dma_wait3A_168 : memref<!tpu.dma_semaphore, #tpu.memory_space<semaphore_mem>>) src(%dma_wait3A_174 : memref<2x4096xf32, #tpu.memory_space<hbm>>) dst(%dma_wait3A_172 : memref<2x4096xf32, #tpu.memory_space<vmem>>)
      %gt3A = arith.constant 0 : i32
      %gt3A_175 = arith.cmpi sgt, %add3A_153, %gt3A : i32
      %convert_element_type3A = arith.extui %gt3A_175 : i1 to i32
      %cond3A = arith.constant 0 : i32
      %cond3A_176 = arith.cmpi ne, %convert_element_type3A, %cond3A : i32
      scf.if %cond3A_176 {
        %sub3A = arith.constant 4 : i32
        %sub3A_369 = arith.subi %add3A_155, %sub3A : i32
        %mul3A_370 = arith.constant 2 : i32
        %mul3A_371 = arith.muli %sub3A_369, %mul3A_370 : i32
        %add3A_372 = arith.addi %mul3A_2, %mul3A_371 : i32
        %dma_wait3A_373 = arith.constant 0 : i32
        %dma_wait3A_374 = arith.constant 0 : i32
        %dma_wait3A_375 = arith.constant 0 : i32
        %dma_wait3A_376 = arith.constant 0 : i32
        %dma_wait3A_377 = tpu.memref_slice %arg7[%dma_wait3A_373, %dma_wait3A_375, %dma_wait3A_376] : memref<4x2x4096xf32, #tpu.memory_space<vmem>> -> memref<1x2x4096xf32, #tpu.memory_space<vmem>>
        %dma_wait3A_378 = tpu.memref_squeeze %dma_wait3A_377 : memref<1x2x4096xf32, #tpu.memory_space<vmem>> -> memref<2x4096xf32, #tpu.memory_space<vmem>>
        %dma_wait3A_379 = arith.constant 0 : i32
        %dma_wait3A_380 = tpu.memref_slice %arg4[%add3A_372, %dma_wait3A_379] : memref<8192x4096xf32, #tpu.memory_space<hbm>> -> memref<2x4096xf32, #tpu.memory_space<hbm>>
        %dma_wait3A_381 = tpu.memref_slice %arg9[%dma_wait3A_374] : memref<4x!tpu.dma_semaphore, #tpu.memory_space<semaphore_mem>> -> memref<1x!tpu.dma_semaphore, #tpu.memory_space<semaphore_mem>>
        %dma_wait3A_382 = tpu.memref_squeeze %dma_wait3A_381 : memref<1x!tpu.dma_semaphore, #tpu.memory_space<semaphore_mem>> -> memref<!tpu.dma_semaphore, #tpu.memory_space<semaphore_mem>>
        %dma_wait3A_383 = arith.constant 0 : i32
        %dma_wait3A_384 = tpu.memref_slice %arg4[%add3A_372, %dma_wait3A_383] : memref<8192x4096xf32, #tpu.memory_space<hbm>> -> memref<2x4096xf32, #tpu.memory_space<hbm>>
        %dma_wait3A_385 = arith.constant 0 : i32
        %dma_wait3A_386 = arith.constant 0 : i32
        %dma_wait3A_387 = tpu.memref_slice %arg7[%dma_wait3A_373, %dma_wait3A_385, %dma_wait3A_386] : memref<4x2x4096xf32, #tpu.memory_space<vmem>> -> memref<1x2x4096xf32, #tpu.memory_space<vmem>>
        %dma_wait3A_388 = tpu.memref_squeeze %dma_wait3A_387 : memref<1x2x4096xf32, #tpu.memory_space<vmem>> -> memref<2x4096xf32, #tpu.memory_space<vmem>>
        tpu.wait_dma2 semaphore(%dma_wait3A_382 : memref<!tpu.dma_semaphore, #tpu.memory_space<semaphore_mem>>) src(%dma_wait3A_388 : memref<2x4096xf32, #tpu.memory_space<vmem>>) dst(%dma_wait3A_384 : memref<2x4096xf32, #tpu.memory_space<hbm>>)
      } else {
      }
      %parallel_loop3A = arith.constant 0 : i32
      %parallel_loop3A_177 = arith.constant 4096 : i32
      %parallel_loop3A_178 = arith.constant 16 : i32
      scf.for %parallel_loop3A_369 = %parallel_loop3A to %parallel_loop3A_177 step %parallel_loop3A_178  : i32 {
        %parallel_loop3A_370 = arith.index_cast %parallel_loop3A_369 : i32 to index
        %parallel_loop3A_371 = tpu.vector_load %arg5[%parallel_loop3A_370] {strides = array<i32>} : memref<4096xi32, #tpu.memory_space<vmem>>, vector<16xi32>,
        %parallel_loop3A_372 = arith.constant 0 : i32
        %parallel_loop3A_373 = vector.broadcast %parallel_loop3A_372 : i32 to vector<16xi32>
        %parallel_loop3A_374 = arith.constant 0 : i32
        %parallel_loop3A_375 = arith.constant 0 : i32
        %parallel_loop3A_376 = arith.constant 0 : i32
        %parallel_loop3A_377 = tpu.memref_slice %arg6[%parallel_loop3A_374, %parallel_loop3A_375, %parallel_loop3A_376] : memref<4x2x4096xf32, #tpu.memory_space<vmem>> -> memref<1x2x4096xf32, #tpu.memory_space<vmem>>
        %parallel_loop3A_378 = tpu.memref_squeeze %parallel_loop3A_377 : memref<1x2x4096xf32, #tpu.memory_space<vmem>> -> memref<2x4096xf32, #tpu.memory_space<vmem>>
        %parallel_loop3A_379 = tpu.vector_load_idx %parallel_loop3A_378[%parallel_loop3A_373, %parallel_loop3A_371] : memref<2x4096xf32, #tpu.memory_space<vmem>>[vector<16xi32>, vector<16xi32>], vector<16xf32>,
        %parallel_loop3A_380 = arith.constant 0 : i32
        %parallel_loop3A_381 = arith.constant 0 : i32
        %parallel_loop3A_382 = arith.index_cast %parallel_loop3A_380 : i32 to index
        %parallel_loop3A_383 = arith.index_cast %parallel_loop3A_381 : i32 to index
        %parallel_loop3A_384 = arith.index_cast %parallel_loop3A_369 : i32 to index
        %parallel_loop3A_385 = tpu.vector_load %arg7[%parallel_loop3A_382, %parallel_loop3A_383, %parallel_loop3A_384] {strides = array<i32>} : memref<4x2x4096xf32, #tpu.memory_space<vmem>>, vector<16xf32>,
        tpu.vector_store %arg7[%parallel_loop3A_382, %parallel_loop3A_383, %parallel_loop3A_384], %parallel_loop3A_379 {strides = array<i32>} : memref<4x2x4096xf32, #tpu.memory_space<vmem>>, vector<16xf32>,
        %parallel_loop3A_386 = arith.constant 1 : i32
        %parallel_loop3A_387 = vector.broadcast %parallel_loop3A_386 : i32 to vector<16xi32>
        %parallel_loop3A_388 = arith.constant 0 : i32
        %parallel_loop3A_389 = arith.constant 0 : i32
        %parallel_loop3A_390 = arith.constant 0 : i32
        %parallel_loop3A_391 = tpu.memref_slice %arg6[%parallel_loop3A_388, %parallel_loop3A_389, %parallel_loop3A_390] : memref<4x2x4096xf32, #tpu.memory_space<vmem>> -> memref<1x2x4096xf32, #tpu.memory_space<vmem>>
        %parallel_loop3A_392 = tpu.memref_squeeze %parallel_loop3A_391 : memref<1x2x4096xf32, #tpu.memory_space<vmem>> -> memref<2x4096xf32, #tpu.memory_space<vmem>>
        %parallel_loop3A_393 = tpu.vector_load_idx %parallel_loop3A_392[%parallel_loop3A_387, %parallel_loop3A_371] : memref<2x4096xf32, #tpu.memory_space<vmem>>[vector<16xi32>, vector<16xi32>], vector<16xf32>,
        %parallel_loop3A_394 = arith.constant 0 : i32
        %parallel_loop3A_395 = arith.constant 1 : i32
        %parallel_loop3A_396 = arith.index_cast %parallel_loop3A_394 : i32 to index
        %parallel_loop3A_397 = arith.index_cast %parallel_loop3A_395 : i32 to index
        %parallel_loop3A_398 = arith.index_cast %parallel_loop3A_369 : i32 to index
        %parallel_loop3A_399 = tpu.vector_load %arg7[%parallel_loop3A_396, %parallel_loop3A_397, %parallel_loop3A_398] {strides = array<i32>} : memref<4x2x4096xf32, #tpu.memory_space<vmem>>, vector<16xf32>,
        tpu.vector_store %arg7[%parallel_loop3A_396, %parallel_loop3A_397, %parallel_loop3A_398], %parallel_loop3A_393 {strides = array<i32>} : memref<4x2x4096xf32, #tpu.memory_space<vmem>>, vector<16xf32>,
      } {sc.loop_unroll_factor = 8 : i64, sc.parallel_access}
      %mul3A_179 = arith.constant 2 : i32
      %mul3A_180 = arith.muli %add3A_155, %mul3A_179 : i32
      %add3A_181 = arith.addi %mul3A_2, %mul3A_180 : i32
      %dma_start3A_182 = arith.constant 0 : i32
      %dma_start3A_183 = arith.constant 0 : i32
      %dma_start3A_184 = arith.constant 0 : i32
      %dma_start3A_185 = arith.constant 0 : i32
      %dma_start3A_186 = tpu.memref_slice %arg7[%dma_start3A_182, %dma_start3A_184, %dma_start3A_185] : memref<4x2x4096xf32, #tpu.memory_space<vmem>> -> memref<1x2x4096xf32, #tpu.memory_space<vmem>>
      %dma_start3A_187 = tpu.memref_squeeze %dma_start3A_186 : memref<1x2x4096xf32, #tpu.memory_space<vmem>> -> memref<2x4096xf32, #tpu.memory_space<vmem>>
      %dma_start3A_188 = arith.constant 0 : i32
      %dma_start3A_189 = tpu.memref_slice %arg4[%add3A_181, %dma_start3A_188] : memref<8192x4096xf32, #tpu.memory_space<hbm>> -> memref<2x4096xf32, #tpu.memory_space<hbm>>
      %dma_start3A_190 = tpu.memref_slice %arg9[%dma_start3A_183] : memref<4x!tpu.dma_semaphore, #tpu.memory_space<semaphore_mem>> -> memref<1x!tpu.dma_semaphore, #tpu.memory_space<semaphore_mem>>
      %dma_start3A_191 = tpu.memref_squeeze %dma_start3A_190 : memref<1x!tpu.dma_semaphore, #tpu.memory_space<semaphore_mem>> -> memref<!tpu.dma_semaphore, #tpu.memory_space<semaphore_mem>>
      %dma_start3A_192 = arith.constant 0 : i32
      %dma_start3A_193 = tpu.memref_slice %arg4[%add3A_181, %dma_start3A_192] : memref<8192x4096xf32, #tpu.memory_space<hbm>> -> memref<2x4096xf32, #tpu.memory_space<hbm>>
      %dma_start3A_194 = arith.constant 0 : i32
      %dma_start3A_195 = arith.constant 0 : i32
      %dma_start3A_196 = tpu.memref_slice %arg7[%dma_start3A_182, %dma_start3A_194, %dma_start3A_195] : memref<4x2x4096xf32, #tpu.memory_space<vmem>> -> memref<1x2x4096xf32, #tpu.memory_space<vmem>>
      %dma_start3A_197 = tpu.memref_squeeze %dma_start3A_196 : memref<1x2x4096xf32, #tpu.memory_space<vmem>> -> memref<2x4096xf32, #tpu.memory_space<vmem>>
      tpu.enqueue_dma source(%dma_start3A_197 : memref<2x4096xf32, #tpu.memory_space<vmem>>) target(%dma_start3A_193 : memref<2x4096xf32, #tpu.memory_space<hbm>>) target_semaphore(%dma_start3A_191 : memref<!tpu.dma_semaphore, #tpu.memory_space<semaphore_mem>>)
      %add3A_198 = arith.constant 4 : i32
      %add3A_199 = arith.addi %add3A_155, %add3A_198 : i32
      %lt3A = arith.constant 128 : i32
      %lt3A_200 = arith.cmpi slt, %add3A_199, %lt3A : i32
      %convert_element_type3A_201 = arith.extui %lt3A_200 : i1 to i32
      %cond3A_202 = arith.constant 0 : i32
      %cond3A_203 = arith.cmpi ne, %convert_element_type3A_201, %cond3A_202 : i32
      scf.if %cond3A_203 {
        %add3A_369 = arith.constant 4 : i32
        %add3A_370 = arith.addi %add3A_155, %add3A_369 : i32
        %mul3A_371 = arith.constant 2 : i32
        %mul3A_372 = arith.muli %add3A_370, %mul3A_371 : i32
        %add3A_373 = arith.addi %mul3A_2, %mul3A_372 : i32
        %dma_start3A_374 = arith.constant 0 : i32
        %dma_start3A_375 = arith.constant 0 : i32
        %dma_start3A_376 = arith.constant 0 : i32
        %dma_start3A_377 = arith.constant 0 : i32
        %dma_start3A_378 = tpu.memref_slice %arg6[%dma_start3A_374, %dma_start3A_376, %dma_start3A_377] : memref<4x2x4096xf32, #tpu.memory_space<vmem>> -> memref<1x2x4096xf32, #tpu.memory_space<vmem>>
        %dma_start3A_379 = tpu.memref_squeeze %dma_start3A_378 : memref<1x2x4096xf32, #tpu.memory_space<vmem>> -> memref<2x4096xf32, #tpu.memory_space<vmem>>
        %dma_start3A_380 = arith.constant 0 : i32
        %dma_start3A_381 = tpu.memref_slice %arg2[%add3A_373, %dma_start3A_380] : memref<8192x4096xf32, #tpu.memory_space<hbm>> -> memref<2x4096xf32, #tpu.memory_space<hbm>>
        %dma_start3A_382 = tpu.memref_slice %arg8[%dma_start3A_375] : memref<4x!tpu.dma_semaphore, #tpu.memory_space<semaphore_mem>> -> memref<1x!tpu.dma_semaphore, #tpu.memory_space<semaphore_mem>>
        %dma_start3A_383 = tpu.memref_squeeze %dma_start3A_382 : memref<1x!tpu.dma_semaphore, #tpu.memory_space<semaphore_mem>> -> memref<!tpu.dma_semaphore, #tpu.memory_space<semaphore_mem>>
        %dma_start3A_384 = arith.constant 0 : i32
        %dma_start3A_385 = arith.constant 0 : i32
        %dma_start3A_386 = tpu.memref_slice %arg6[%dma_start3A_374, %dma_start3A_384, %dma_start3A_385] : memref<4x2x4096xf32, #tpu.memory_space<vmem>> -> memref<1x2x4096xf32, #tpu.memory_space<vmem>>
        %dma_start3A_387 = tpu.memref_squeeze %dma_start3A_386 : memref<1x2x4096xf32, #tpu.memory_space<vmem>> -> memref<2x4096xf32, #tpu.memory_space<vmem>>
        %dma_start3A_388 = arith.constant 0 : i32
        %dma_start3A_389 = tpu.memref_slice %arg2[%add3A_373, %dma_start3A_388] : memref<8192x4096xf32, #tpu.memory_space<hbm>> -> memref<2x4096xf32, #tpu.memory_space<hbm>>
        tpu.enqueue_dma source(%dma_start3A_389 : memref<2x4096xf32, #tpu.memory_space<hbm>>) target(%dma_start3A_387 : memref<2x4096xf32, #tpu.memory_space<vmem>>) target_semaphore(%dma_start3A_383 : memref<!tpu.dma_semaphore, #tpu.memory_space<semaphore_mem>>)
      } else {
      }
      %add3A_204 = arith.constant 1 : i32
      %add3A_205 = arith.addi %add3A_153, %add3A_204 : i32
      %mul3A_206 = arith.constant 2 : i32
      %mul3A_207 = arith.muli %add3A_205, %mul3A_206 : i32
      %add3A_208 = arith.addi %mul3A_2, %mul3A_207 : i32
      %dma_wait3A_209 = arith.constant 1 : i32
      %dma_wait3A_210 = arith.constant 1 : i32
      %dma_wait3A_211 = arith.constant 0 : i32
      %dma_wait3A_212 = arith.constant 0 : i32
      %dma_wait3A_213 = tpu.memref_slice %arg6[%dma_wait3A_209, %dma_wait3A_211, %dma_wait3A_212] : memref<4x2x4096xf32, #tpu.memory_space<vmem>> -> memref<1x2x4096xf32, #tpu.memory_space<vmem>>
      %dma_wait3A_214 = tpu.memref_squeeze %dma_wait3A_213 : memref<1x2x4096xf32, #tpu.memory_space<vmem>> -> memref<2x4096xf32, #tpu.memory_space<vmem>>
      %dma_wait3A_215 = arith.constant 0 : i32
      %dma_wait3A_216 = tpu.memref_slice %arg2[%add3A_208, %dma_wait3A_215] : memref<8192x4096xf32, #tpu.memory_space<hbm>> -> memref<2x4096xf32, #tpu.memory_space<hbm>>
      %dma_wait3A_217 = tpu.memref_slice %arg8[%dma_wait3A_210] : memref<4x!tpu.dma_semaphore, #tpu.memory_space<semaphore_mem>> -> memref<1x!tpu.dma_semaphore, #tpu.memory_space<semaphore_mem>>
      %dma_wait3A_218 = tpu.memref_squeeze %dma_wait3A_217 : memref<1x!tpu.dma_semaphore, #tpu.memory_space<semaphore_mem>> -> memref<!tpu.dma_semaphore, #tpu.memory_space<semaphore_mem>>
      %dma_wait3A_219 = arith.constant 0 : i32
      %dma_wait3A_220 = arith.constant 0 : i32
      %dma_wait3A_221 = tpu.memref_slice %arg6[%dma_wait3A_209, %dma_wait3A_219, %dma_wait3A_220] : memref<4x2x4096xf32, #tpu.memory_space<vmem>> -> memref<1x2x4096xf32, #tpu.memory_space<vmem>>
      %dma_wait3A_222 = tpu.memref_squeeze %dma_wait3A_221 : memref<1x2x4096xf32, #tpu.memory_space<vmem>> -> memref<2x4096xf32, #tpu.memory_space<vmem>>
      %dma_wait3A_223 = arith.constant 0 : i32
      %dma_wait3A_224 = tpu.memref_slice %arg2[%add3A_208, %dma_wait3A_223] : memref<8192x4096xf32, #tpu.memory_space<hbm>> -> memref<2x4096xf32, #tpu.memory_space<hbm>>
      tpu.wait_dma2 semaphore(%dma_wait3A_218 : memref<!tpu.dma_semaphore, #tpu.memory_space<semaphore_mem>>) src(%dma_wait3A_224 : memref<2x4096xf32, #tpu.memory_space<hbm>>) dst(%dma_wait3A_222 : memref<2x4096xf32, #tpu.memory_space<vmem>>)
      %gt3A_225 = arith.constant 0 : i32
      %gt3A_226 = arith.cmpi sgt, %add3A_153, %gt3A_225 : i32
      %convert_element_type3A_227 = arith.extui %gt3A_226 : i1 to i32
      %cond3A_228 = arith.constant 0 : i32
      %cond3A_229 = arith.cmpi ne, %convert_element_type3A_227, %cond3A_228 : i32
      scf.if %cond3A_229 {
        %sub3A = arith.constant 4 : i32
        %sub3A_369 = arith.subi %add3A_205, %sub3A : i32
        %mul3A_370 = arith.constant 2 : i32
        %mul3A_371 = arith.muli %sub3A_369, %mul3A_370 : i32
        %add3A_372 = arith.addi %mul3A_2, %mul3A_371 : i32
        %dma_wait3A_373 = arith.constant 1 : i32
        %dma_wait3A_374 = arith.constant 1 : i32
        %dma_wait3A_375 = arith.constant 0 : i32
        %dma_wait3A_376 = arith.constant 0 : i32
        %dma_wait3A_377 = tpu.memref_slice %arg7[%dma_wait3A_373, %dma_wait3A_375, %dma_wait3A_376] : memref<4x2x4096xf32, #tpu.memory_space<vmem>> -> memref<1x2x4096xf32, #tpu.memory_space<vmem>>
        %dma_wait3A_378 = tpu.memref_squeeze %dma_wait3A_377 : memref<1x2x4096xf32, #tpu.memory_space<vmem>> -> memref<2x4096xf32, #tpu.memory_space<vmem>>
        %dma_wait3A_379 = arith.constant 0 : i32
        %dma_wait3A_380 = tpu.memref_slice %arg4[%add3A_372, %dma_wait3A_379] : memref<8192x4096xf32, #tpu.memory_space<hbm>> -> memref<2x4096xf32, #tpu.memory_space<hbm>>
        %dma_wait3A_381 = tpu.memref_slice %arg9[%dma_wait3A_374] : memref<4x!tpu.dma_semaphore, #tpu.memory_space<semaphore_mem>> -> memref<1x!tpu.dma_semaphore, #tpu.memory_space<semaphore_mem>>
        %dma_wait3A_382 = tpu.memref_squeeze %dma_wait3A_381 : memref<1x!tpu.dma_semaphore, #tpu.memory_space<semaphore_mem>> -> memref<!tpu.dma_semaphore, #tpu.memory_space<semaphore_mem>>
        %dma_wait3A_383 = arith.constant 0 : i32
        %dma_wait3A_384 = tpu.memref_slice %arg4[%add3A_372, %dma_wait3A_383] : memref<8192x4096xf32, #tpu.memory_space<hbm>> -> memref<2x4096xf32, #tpu.memory_space<hbm>>
        %dma_wait3A_385 = arith.constant 0 : i32
        %dma_wait3A_386 = arith.constant 0 : i32
        %dma_wait3A_387 = tpu.memref_slice %arg7[%dma_wait3A_373, %dma_wait3A_385, %dma_wait3A_386] : memref<4x2x4096xf32, #tpu.memory_space<vmem>> -> memref<1x2x4096xf32, #tpu.memory_space<vmem>>
        %dma_wait3A_388 = tpu.memref_squeeze %dma_wait3A_387 : memref<1x2x4096xf32, #tpu.memory_space<vmem>> -> memref<2x4096xf32, #tpu.memory_space<vmem>>
        tpu.wait_dma2 semaphore(%dma_wait3A_382 : memref<!tpu.dma_semaphore, #tpu.memory_space<semaphore_mem>>) src(%dma_wait3A_388 : memref<2x4096xf32, #tpu.memory_space<vmem>>) dst(%dma_wait3A_384 : memref<2x4096xf32, #tpu.memory_space<hbm>>)
      } else {
      }
      %parallel_loop3A_230 = arith.constant 0 : i32
      %parallel_loop3A_231 = arith.constant 4096 : i32
      %parallel_loop3A_232 = arith.constant 16 : i32
      scf.for %parallel_loop3A_369 = %parallel_loop3A_230 to %parallel_loop3A_231 step %parallel_loop3A_232  : i32 {
        %parallel_loop3A_370 = arith.index_cast %parallel_loop3A_369 : i32 to index
        %parallel_loop3A_371 = tpu.vector_load %arg5[%parallel_loop3A_370] {strides = array<i32>} : memref<4096xi32, #tpu.memory_space<vmem>>, vector<16xi32>,
        %parallel_loop3A_372 = arith.constant 0 : i32
        %parallel_loop3A_373 = vector.broadcast %parallel_loop3A_372 : i32 to vector<16xi32>
        %parallel_loop3A_374 = arith.constant 1 : i32
        %parallel_loop3A_375 = arith.constant 0 : i32
        %parallel_loop3A_376 = arith.constant 0 : i32
        %parallel_loop3A_377 = tpu.memref_slice %arg6[%parallel_loop3A_374, %parallel_loop3A_375, %parallel_loop3A_376] : memref<4x2x4096xf32, #tpu.memory_space<vmem>> -> memref<1x2x4096xf32, #tpu.memory_space<vmem>>
        %parallel_loop3A_378 = tpu.memref_squeeze %parallel_loop3A_377 : memref<1x2x4096xf32, #tpu.memory_space<vmem>> -> memref<2x4096xf32, #tpu.memory_space<vmem>>
        %parallel_loop3A_379 = tpu.vector_load_idx %parallel_loop3A_378[%parallel_loop3A_373, %parallel_loop3A_371] : memref<2x4096xf32, #tpu.memory_space<vmem>>[vector<16xi32>, vector<16xi32>], vector<16xf32>,
        %parallel_loop3A_380 = arith.constant 1 : i32
        %parallel_loop3A_381 = arith.constant 0 : i32
        %parallel_loop3A_382 = arith.index_cast %parallel_loop3A_380 : i32 to index
        %parallel_loop3A_383 = arith.index_cast %parallel_loop3A_381 : i32 to index
        %parallel_loop3A_384 = arith.index_cast %parallel_loop3A_369 : i32 to index
        %parallel_loop3A_385 = tpu.vector_load %arg7[%parallel_loop3A_382, %parallel_loop3A_383, %parallel_loop3A_384] {strides = array<i32>} : memref<4x2x4096xf32, #tpu.memory_space<vmem>>, vector<16xf32>,
        tpu.vector_store %arg7[%parallel_loop3A_382, %parallel_loop3A_383, %parallel_loop3A_384], %parallel_loop3A_379 {strides = array<i32>} : memref<4x2x4096xf32, #tpu.memory_space<vmem>>, vector<16xf32>,
        %parallel_loop3A_386 = arith.constant 1 : i32
        %parallel_loop3A_387 = vector.broadcast %parallel_loop3A_386 : i32 to vector<16xi32>
        %parallel_loop3A_388 = arith.constant 1 : i32
        %parallel_loop3A_389 = arith.constant 0 : i32
        %parallel_loop3A_390 = arith.constant 0 : i32
        %parallel_loop3A_391 = tpu.memref_slice %arg6[%parallel_loop3A_388, %parallel_loop3A_389, %parallel_loop3A_390] : memref<4x2x4096xf32, #tpu.memory_space<vmem>> -> memref<1x2x4096xf32, #tpu.memory_space<vmem>>
        %parallel_loop3A_392 = tpu.memref_squeeze %parallel_loop3A_391 : memref<1x2x4096xf32, #tpu.memory_space<vmem>> -> memref<2x4096xf32, #tpu.memory_space<vmem>>
        %parallel_loop3A_393 = tpu.vector_load_idx %parallel_loop3A_392[%parallel_loop3A_387, %parallel_loop3A_371] : memref<2x4096xf32, #tpu.memory_space<vmem>>[vector<16xi32>, vector<16xi32>], vector<16xf32>,
        %parallel_loop3A_394 = arith.constant 1 : i32
        %parallel_loop3A_395 = arith.constant 1 : i32
        %parallel_loop3A_396 = arith.index_cast %parallel_loop3A_394 : i32 to index
        %parallel_loop3A_397 = arith.index_cast %parallel_loop3A_395 : i32 to index
        %parallel_loop3A_398 = arith.index_cast %parallel_loop3A_369 : i32 to index
        %parallel_loop3A_399 = tpu.vector_load %arg7[%parallel_loop3A_396, %parallel_loop3A_397, %parallel_loop3A_398] {strides = array<i32>} : memref<4x2x4096xf32, #tpu.memory_space<vmem>>, vector<16xf32>,
        tpu.vector_store %arg7[%parallel_loop3A_396, %parallel_loop3A_397, %parallel_loop3A_398], %parallel_loop3A_393 {strides = array<i32>} : memref<4x2x4096xf32, #tpu.memory_space<vmem>>, vector<16xf32>,
      } {sc.loop_unroll_factor = 8 : i64, sc.parallel_access}
      %mul3A_233 = arith.constant 2 : i32
      %mul3A_234 = arith.muli %add3A_205, %mul3A_233 : i32
      %add3A_235 = arith.addi %mul3A_2, %mul3A_234 : i32
      %dma_start3A_236 = arith.constant 1 : i32
      %dma_start3A_237 = arith.constant 1 : i32
      %dma_start3A_238 = arith.constant 0 : i32
      %dma_start3A_239 = arith.constant 0 : i32
      %dma_start3A_240 = tpu.memref_slice %arg7[%dma_start3A_236, %dma_start3A_238, %dma_start3A_239] : memref<4x2x4096xf32, #tpu.memory_space<vmem>> -> memref<1x2x4096xf32, #tpu.memory_space<vmem>>
      %dma_start3A_241 = tpu.memref_squeeze %dma_start3A_240 : memref<1x2x4096xf32, #tpu.memory_space<vmem>> -> memref<2x4096xf32, #tpu.memory_space<vmem>>
      %dma_start3A_242 = arith.constant 0 : i32
      %dma_start3A_243 = tpu.memref_slice %arg4[%add3A_235, %dma_start3A_242] : memref<8192x4096xf32, #tpu.memory_space<hbm>> -> memref<2x4096xf32, #tpu.memory_space<hbm>>
      %dma_start3A_244 = tpu.memref_slice %arg9[%dma_start3A_237] : memref<4x!tpu.dma_semaphore, #tpu.memory_space<semaphore_mem>> -> memref<1x!tpu.dma_semaphore, #tpu.memory_space<semaphore_mem>>
      %dma_start3A_245 = tpu.memref_squeeze %dma_start3A_244 : memref<1x!tpu.dma_semaphore, #tpu.memory_space<semaphore_mem>> -> memref<!tpu.dma_semaphore, #tpu.memory_space<semaphore_mem>>
      %dma_start3A_246 = arith.constant 0 : i32
      %dma_start3A_247 = tpu.memref_slice %arg4[%add3A_235, %dma_start3A_246] : memref<8192x4096xf32, #tpu.memory_space<hbm>> -> memref<2x4096xf32, #tpu.memory_space<hbm>>
      %dma_start3A_248 = arith.constant 0 : i32
      %dma_start3A_249 = arith.constant 0 : i32
      %dma_start3A_250 = tpu.memref_slice %arg7[%dma_start3A_236, %dma_start3A_248, %dma_start3A_249] : memref<4x2x4096xf32, #tpu.memory_space<vmem>> -> memref<1x2x4096xf32, #tpu.memory_space<vmem>>
      %dma_start3A_251 = tpu.memref_squeeze %dma_start3A_250 : memref<1x2x4096xf32, #tpu.memory_space<vmem>> -> memref<2x4096xf32, #tpu.memory_space<vmem>>
      tpu.enqueue_dma source(%dma_start3A_251 : memref<2x4096xf32, #tpu.memory_space<vmem>>) target(%dma_start3A_247 : memref<2x4096xf32, #tpu.memory_space<hbm>>) target_semaphore(%dma_start3A_245 : memref<!tpu.dma_semaphore, #tpu.memory_space<semaphore_mem>>)
      %add3A_252 = arith.constant 4 : i32
      %add3A_253 = arith.addi %add3A_205, %add3A_252 : i32
      %lt3A_254 = arith.constant 128 : i32
      %lt3A_255 = arith.cmpi slt, %add3A_253, %lt3A_254 : i32
      %convert_element_type3A_256 = arith.extui %lt3A_255 : i1 to i32
      %cond3A_257 = arith.constant 0 : i32
      %cond3A_258 = arith.cmpi ne, %convert_element_type3A_256, %cond3A_257 : i32
      scf.if %cond3A_258 {
        %add3A_369 = arith.constant 4 : i32
        %add3A_370 = arith.addi %add3A_205, %add3A_369 : i32
        %mul3A_371 = arith.constant 2 : i32
        %mul3A_372 = arith.muli %add3A_370, %mul3A_371 : i32
        %add3A_373 = arith.addi %mul3A_2, %mul3A_372 : i32
        %dma_start3A_374 = arith.constant 1 : i32
        %dma_start3A_375 = arith.constant 1 : i32
        %dma_start3A_376 = arith.constant 0 : i32
        %dma_start3A_377 = arith.constant 0 : i32
        %dma_start3A_378 = tpu.memref_slice %arg6[%dma_start3A_374, %dma_start3A_376, %dma_start3A_377] : memref<4x2x4096xf32, #tpu.memory_space<vmem>> -> memref<1x2x4096xf32, #tpu.memory_space<vmem>>
        %dma_start3A_379 = tpu.memref_squeeze %dma_start3A_378 : memref<1x2x4096xf32, #tpu.memory_space<vmem>> -> memref<2x4096xf32, #tpu.memory_space<vmem>>
        %dma_start3A_380 = arith.constant 0 : i32
        %dma_start3A_381 = tpu.memref_slice %arg2[%add3A_373, %dma_start3A_380] : memref<8192x4096xf32, #tpu.memory_space<hbm>> -> memref<2x4096xf32, #tpu.memory_space<hbm>>
        %dma_start3A_382 = tpu.memref_slice %arg8[%dma_start3A_375] : memref<4x!tpu.dma_semaphore, #tpu.memory_space<semaphore_mem>> -> memref<1x!tpu.dma_semaphore, #tpu.memory_space<semaphore_mem>>
        %dma_start3A_383 = tpu.memref_squeeze %dma_start3A_382 : memref<1x!tpu.dma_semaphore, #tpu.memory_space<semaphore_mem>> -> memref<!tpu.dma_semaphore, #tpu.memory_space<semaphore_mem>>
        %dma_start3A_384 = arith.constant 0 : i32
        %dma_start3A_385 = arith.constant 0 : i32
        %dma_start3A_386 = tpu.memref_slice %arg6[%dma_start3A_374, %dma_start3A_384, %dma_start3A_385] : memref<4x2x4096xf32, #tpu.memory_space<vmem>> -> memref<1x2x4096xf32, #tpu.memory_space<vmem>>
        %dma_start3A_387 = tpu.memref_squeeze %dma_start3A_386 : memref<1x2x4096xf32, #tpu.memory_space<vmem>> -> memref<2x4096xf32, #tpu.memory_space<vmem>>
        %dma_start3A_388 = arith.constant 0 : i32
        %dma_start3A_389 = tpu.memref_slice %arg2[%add3A_373, %dma_start3A_388] : memref<8192x4096xf32, #tpu.memory_space<hbm>> -> memref<2x4096xf32, #tpu.memory_space<hbm>>
        tpu.enqueue_dma source(%dma_start3A_389 : memref<2x4096xf32, #tpu.memory_space<hbm>>) target(%dma_start3A_387 : memref<2x4096xf32, #tpu.memory_space<vmem>>) target_semaphore(%dma_start3A_383 : memref<!tpu.dma_semaphore, #tpu.memory_space<semaphore_mem>>)
      } else {
      }
      %add3A_259 = arith.constant 2 : i32
      %add3A_260 = arith.addi %add3A_153, %add3A_259 : i32
      %mul3A_261 = arith.constant 2 : i32
      %mul3A_262 = arith.muli %add3A_260, %mul3A_261 : i32
      %add3A_263 = arith.addi %mul3A_2, %mul3A_262 : i32
      %dma_wait3A_264 = arith.constant 2 : i32
      %dma_wait3A_265 = arith.constant 2 : i32
      %dma_wait3A_266 = arith.constant 0 : i32
      %dma_wait3A_267 = arith.constant 0 : i32
      %dma_wait3A_268 = tpu.memref_slice %arg6[%dma_wait3A_264, %dma_wait3A_266, %dma_wait3A_267] : memref<4x2x4096xf32, #tpu.memory_space<vmem>> -> memref<1x2x4096xf32, #tpu.memory_space<vmem>>
      %dma_wait3A_269 = tpu.memref_squeeze %dma_wait3A_268 : memref<1x2x4096xf32, #tpu.memory_space<vmem>> -> memref<2x4096xf32, #tpu.memory_space<vmem>>
      %dma_wait3A_270 = arith.constant 0 : i32
      %dma_wait3A_271 = tpu.memref_slice %arg2[%add3A_263, %dma_wait3A_270] : memref<8192x4096xf32, #tpu.memory_space<hbm>> -> memref<2x4096xf32, #tpu.memory_space<hbm>>
      %dma_wait3A_272 = tpu.memref_slice %arg8[%dma_wait3A_265] : memref<4x!tpu.dma_semaphore, #tpu.memory_space<semaphore_mem>> -> memref<1x!tpu.dma_semaphore, #tpu.memory_space<semaphore_mem>>
      %dma_wait3A_273 = tpu.memref_squeeze %dma_wait3A_272 : memref<1x!tpu.dma_semaphore, #tpu.memory_space<semaphore_mem>> -> memref<!tpu.dma_semaphore, #tpu.memory_space<semaphore_mem>>
      %dma_wait3A_274 = arith.constant 0 : i32
      %dma_wait3A_275 = arith.constant 0 : i32
      %dma_wait3A_276 = tpu.memref_slice %arg6[%dma_wait3A_264, %dma_wait3A_274, %dma_wait3A_275] : memref<4x2x4096xf32, #tpu.memory_space<vmem>> -> memref<1x2x4096xf32, #tpu.memory_space<vmem>>
      %dma_wait3A_277 = tpu.memref_squeeze %dma_wait3A_276 : memref<1x2x4096xf32, #tpu.memory_space<vmem>> -> memref<2x4096xf32, #tpu.memory_space<vmem>>
      %dma_wait3A_278 = arith.constant 0 : i32
      %dma_wait3A_279 = tpu.memref_slice %arg2[%add3A_263, %dma_wait3A_278] : memref<8192x4096xf32, #tpu.memory_space<hbm>> -> memref<2x4096xf32, #tpu.memory_space<hbm>>
      tpu.wait_dma2 semaphore(%dma_wait3A_273 : memref<!tpu.dma_semaphore, #tpu.memory_space<semaphore_mem>>) src(%dma_wait3A_279 : memref<2x4096xf32, #tpu.memory_space<hbm>>) dst(%dma_wait3A_277 : memref<2x4096xf32, #tpu.memory_space<vmem>>)
      %gt3A_280 = arith.constant 0 : i32
      %gt3A_281 = arith.cmpi sgt, %add3A_153, %gt3A_280 : i32
      %convert_element_type3A_282 = arith.extui %gt3A_281 : i1 to i32
      %cond3A_283 = arith.constant 0 : i32
      %cond3A_284 = arith.cmpi ne, %convert_element_type3A_282, %cond3A_283 : i32
      scf.if %cond3A_284 {
        %sub3A = arith.constant 4 : i32
        %sub3A_369 = arith.subi %add3A_260, %sub3A : i32
        %mul3A_370 = arith.constant 2 : i32
        %mul3A_371 = arith.muli %sub3A_369, %mul3A_370 : i32
        %add3A_372 = arith.addi %mul3A_2, %mul3A_371 : i32
        %dma_wait3A_373 = arith.constant 2 : i32
        %dma_wait3A_374 = arith.constant 2 : i32
        %dma_wait3A_375 = arith.constant 0 : i32
        %dma_wait3A_376 = arith.constant 0 : i32
        %dma_wait3A_377 = tpu.memref_slice %arg7[%dma_wait3A_373, %dma_wait3A_375, %dma_wait3A_376] : memref<4x2x4096xf32, #tpu.memory_space<vmem>> -> memref<1x2x4096xf32, #tpu.memory_space<vmem>>
        %dma_wait3A_378 = tpu.memref_squeeze %dma_wait3A_377 : memref<1x2x4096xf32, #tpu.memory_space<vmem>> -> memref<2x4096xf32, #tpu.memory_space<vmem>>
        %dma_wait3A_379 = arith.constant 0 : i32
        %dma_wait3A_380 = tpu.memref_slice %arg4[%add3A_372, %dma_wait3A_379] : memref<8192x4096xf32, #tpu.memory_space<hbm>> -> memref<2x4096xf32, #tpu.memory_space<hbm>>
        %dma_wait3A_381 = tpu.memref_slice %arg9[%dma_wait3A_374] : memref<4x!tpu.dma_semaphore, #tpu.memory_space<semaphore_mem>> -> memref<1x!tpu.dma_semaphore, #tpu.memory_space<semaphore_mem>>
        %dma_wait3A_382 = tpu.memref_squeeze %dma_wait3A_381 : memref<1x!tpu.dma_semaphore, #tpu.memory_space<semaphore_mem>> -> memref<!tpu.dma_semaphore, #tpu.memory_space<semaphore_mem>>
        %dma_wait3A_383 = arith.constant 0 : i32
        %dma_wait3A_384 = tpu.memref_slice %arg4[%add3A_372, %dma_wait3A_383] : memref<8192x4096xf32, #tpu.memory_space<hbm>> -> memref<2x4096xf32, #tpu.memory_space<hbm>>
        %dma_wait3A_385 = arith.constant 0 : i32
        %dma_wait3A_386 = arith.constant 0 : i32
        %dma_wait3A_387 = tpu.memref_slice %arg7[%dma_wait3A_373, %dma_wait3A_385, %dma_wait3A_386] : memref<4x2x4096xf32, #tpu.memory_space<vmem>> -> memref<1x2x4096xf32, #tpu.memory_space<vmem>>
        %dma_wait3A_388 = tpu.memref_squeeze %dma_wait3A_387 : memref<1x2x4096xf32, #tpu.memory_space<vmem>> -> memref<2x4096xf32, #tpu.memory_space<vmem>>
        tpu.wait_dma2 semaphore(%dma_wait3A_382 : memref<!tpu.dma_semaphore, #tpu.memory_space<semaphore_mem>>) src(%dma_wait3A_388 : memref<2x4096xf32, #tpu.memory_space<vmem>>) dst(%dma_wait3A_384 : memref<2x4096xf32, #tpu.memory_space<hbm>>)
      } else {
      }
      %parallel_loop3A_285 = arith.constant 0 : i32
      %parallel_loop3A_286 = arith.constant 4096 : i32
      %parallel_loop3A_287 = arith.constant 16 : i32
      scf.for %parallel_loop3A_369 = %parallel_loop3A_285 to %parallel_loop3A_286 step %parallel_loop3A_287  : i32 {
        %parallel_loop3A_370 = arith.index_cast %parallel_loop3A_369 : i32 to index
        %parallel_loop3A_371 = tpu.vector_load %arg5[%parallel_loop3A_370] {strides = array<i32>} : memref<4096xi32, #tpu.memory_space<vmem>>, vector<16xi32>,
        %parallel_loop3A_372 = arith.constant 0 : i32
        %parallel_loop3A_373 = vector.broadcast %parallel_loop3A_372 : i32 to vector<16xi32>
        %parallel_loop3A_374 = arith.constant 2 : i32
        %parallel_loop3A_375 = arith.constant 0 : i32
        %parallel_loop3A_376 = arith.constant 0 : i32
        %parallel_loop3A_377 = tpu.memref_slice %arg6[%parallel_loop3A_374, %parallel_loop3A_375, %parallel_loop3A_376] : memref<4x2x4096xf32, #tpu.memory_space<vmem>> -> memref<1x2x4096xf32, #tpu.memory_space<vmem>>
        %parallel_loop3A_378 = tpu.memref_squeeze %parallel_loop3A_377 : memref<1x2x4096xf32, #tpu.memory_space<vmem>> -> memref<2x4096xf32, #tpu.memory_space<vmem>>
        %parallel_loop3A_379 = tpu.vector_load_idx %parallel_loop3A_378[%parallel_loop3A_373, %parallel_loop3A_371] : memref<2x4096xf32, #tpu.memory_space<vmem>>[vector<16xi32>, vector<16xi32>], vector<16xf32>,
        %parallel_loop3A_380 = arith.constant 2 : i32
        %parallel_loop3A_381 = arith.constant 0 : i32
        %parallel_loop3A_382 = arith.index_cast %parallel_loop3A_380 : i32 to index
        %parallel_loop3A_383 = arith.index_cast %parallel_loop3A_381 : i32 to index
        %parallel_loop3A_384 = arith.index_cast %parallel_loop3A_369 : i32 to index
        %parallel_loop3A_385 = tpu.vector_load %arg7[%parallel_loop3A_382, %parallel_loop3A_383, %parallel_loop3A_384] {strides = array<i32>} : memref<4x2x4096xf32, #tpu.memory_space<vmem>>, vector<16xf32>,
        tpu.vector_store %arg7[%parallel_loop3A_382, %parallel_loop3A_383, %parallel_loop3A_384], %parallel_loop3A_379 {strides = array<i32>} : memref<4x2x4096xf32, #tpu.memory_space<vmem>>, vector<16xf32>,
        %parallel_loop3A_386 = arith.constant 1 : i32
        %parallel_loop3A_387 = vector.broadcast %parallel_loop3A_386 : i32 to vector<16xi32>
        %parallel_loop3A_388 = arith.constant 2 : i32
        %parallel_loop3A_389 = arith.constant 0 : i32
        %parallel_loop3A_390 = arith.constant 0 : i32
        %parallel_loop3A_391 = tpu.memref_slice %arg6[%parallel_loop3A_388, %parallel_loop3A_389, %parallel_loop3A_390] : memref<4x2x4096xf32, #tpu.memory_space<vmem>> -> memref<1x2x4096xf32, #tpu.memory_space<vmem>>
        %parallel_loop3A_392 = tpu.memref_squeeze %parallel_loop3A_391 : memref<1x2x4096xf32, #tpu.memory_space<vmem>> -> memref<2x4096xf32, #tpu.memory_space<vmem>>
        %parallel_loop3A_393 = tpu.vector_load_idx %parallel_loop3A_392[%parallel_loop3A_387, %parallel_loop3A_371] : memref<2x4096xf32, #tpu.memory_space<vmem>>[vector<16xi32>, vector<16xi32>], vector<16xf32>,
        %parallel_loop3A_394 = arith.constant 2 : i32
        %parallel_loop3A_395 = arith.constant 1 : i32
        %parallel_loop3A_396 = arith.index_cast %parallel_loop3A_394 : i32 to index
        %parallel_loop3A_397 = arith.index_cast %parallel_loop3A_395 : i32 to index
        %parallel_loop3A_398 = arith.index_cast %parallel_loop3A_369 : i32 to index
        %parallel_loop3A_399 = tpu.vector_load %arg7[%parallel_loop3A_396, %parallel_loop3A_397, %parallel_loop3A_398] {strides = array<i32>} : memref<4x2x4096xf32, #tpu.memory_space<vmem>>, vector<16xf32>,
        tpu.vector_store %arg7[%parallel_loop3A_396, %parallel_loop3A_397, %parallel_loop3A_398], %parallel_loop3A_393 {strides = array<i32>} : memref<4x2x4096xf32, #tpu.memory_space<vmem>>, vector<16xf32>,
      } {sc.loop_unroll_factor = 8 : i64, sc.parallel_access}
      %mul3A_288 = arith.constant 2 : i32
      %mul3A_289 = arith.muli %add3A_260, %mul3A_288 : i32
      %add3A_290 = arith.addi %mul3A_2, %mul3A_289 : i32
      %dma_start3A_291 = arith.constant 2 : i32
      %dma_start3A_292 = arith.constant 2 : i32
      %dma_start3A_293 = arith.constant 0 : i32
      %dma_start3A_294 = arith.constant 0 : i32
      %dma_start3A_295 = tpu.memref_slice %arg7[%dma_start3A_291, %dma_start3A_293, %dma_start3A_294] : memref<4x2x4096xf32, #tpu.memory_space<vmem>> -> memref<1x2x4096xf32, #tpu.memory_space<vmem>>
      %dma_start3A_296 = tpu.memref_squeeze %dma_start3A_295 : memref<1x2x4096xf32, #tpu.memory_space<vmem>> -> memref<2x4096xf32, #tpu.memory_space<vmem>>
      %dma_start3A_297 = arith.constant 0 : i32
      %dma_start3A_298 = tpu.memref_slice %arg4[%add3A_290, %dma_start3A_297] : memref<8192x4096xf32, #tpu.memory_space<hbm>> -> memref<2x4096xf32, #tpu.memory_space<hbm>>
      %dma_start3A_299 = tpu.memref_slice %arg9[%dma_start3A_292] : memref<4x!tpu.dma_semaphore, #tpu.memory_space<semaphore_mem>> -> memref<1x!tpu.dma_semaphore, #tpu.memory_space<semaphore_mem>>
      %dma_start3A_300 = tpu.memref_squeeze %dma_start3A_299 : memref<1x!tpu.dma_semaphore, #tpu.memory_space<semaphore_mem>> -> memref<!tpu.dma_semaphore, #tpu.memory_space<semaphore_mem>>
      %dma_start3A_301 = arith.constant 0 : i32
      %dma_start3A_302 = tpu.memref_slice %arg4[%add3A_290, %dma_start3A_301] : memref<8192x4096xf32, #tpu.memory_space<hbm>> -> memref<2x4096xf32, #tpu.memory_space<hbm>>
      %dma_start3A_303 = arith.constant 0 : i32
      %dma_start3A_304 = arith.constant 0 : i32
      %dma_start3A_305 = tpu.memref_slice %arg7[%dma_start3A_291, %dma_start3A_303, %dma_start3A_304] : memref<4x2x4096xf32, #tpu.memory_space<vmem>> -> memref<1x2x4096xf32, #tpu.memory_space<vmem>>
      %dma_start3A_306 = tpu.memref_squeeze %dma_start3A_305 : memref<1x2x4096xf32, #tpu.memory_space<vmem>> -> memref<2x4096xf32, #tpu.memory_space<vmem>>
      tpu.enqueue_dma source(%dma_start3A_306 : memref<2x4096xf32, #tpu.memory_space<vmem>>) target(%dma_start3A_302 : memref<2x4096xf32, #tpu.memory_space<hbm>>) target_semaphore(%dma_start3A_300 : memref<!tpu.dma_semaphore, #tpu.memory_space<semaphore_mem>>)
      %add3A_307 = arith.constant 4 : i32
      %add3A_308 = arith.addi %add3A_260, %add3A_307 : i32
      %lt3A_309 = arith.constant 128 : i32
      %lt3A_310 = arith.cmpi slt, %add3A_308, %lt3A_309 : i32
      %convert_element_type3A_311 = arith.extui %lt3A_310 : i1 to i32
      %cond3A_312 = arith.constant 0 : i32
      %cond3A_313 = arith.cmpi ne, %convert_element_type3A_311, %cond3A_312 : i32
      scf.if %cond3A_313 {
        %add3A_369 = arith.constant 4 : i32
        %add3A_370 = arith.addi %add3A_260, %add3A_369 : i32
        %mul3A_371 = arith.constant 2 : i32
        %mul3A_372 = arith.muli %add3A_370, %mul3A_371 : i32
        %add3A_373 = arith.addi %mul3A_2, %mul3A_372 : i32
        %dma_start3A_374 = arith.constant 2 : i32
        %dma_start3A_375 = arith.constant 2 : i32
        %dma_start3A_376 = arith.constant 0 : i32
        %dma_start3A_377 = arith.constant 0 : i32
        %dma_start3A_378 = tpu.memref_slice %arg6[%dma_start3A_374, %dma_start3A_376, %dma_start3A_377] : memref<4x2x4096xf32, #tpu.memory_space<vmem>> -> memref<1x2x4096xf32, #tpu.memory_space<vmem>>
        %dma_start3A_379 = tpu.memref_squeeze %dma_start3A_378 : memref<1x2x4096xf32, #tpu.memory_space<vmem>> -> memref<2x4096xf32, #tpu.memory_space<vmem>>
        %dma_start3A_380 = arith.constant 0 : i32
        %dma_start3A_381 = tpu.memref_slice %arg2[%add3A_373, %dma_start3A_380] : memref<8192x4096xf32, #tpu.memory_space<hbm>> -> memref<2x4096xf32, #tpu.memory_space<hbm>>
        %dma_start3A_382 = tpu.memref_slice %arg8[%dma_start3A_375] : memref<4x!tpu.dma_semaphore, #tpu.memory_space<semaphore_mem>> -> memref<1x!tpu.dma_semaphore, #tpu.memory_space<semaphore_mem>>
        %dma_start3A_383 = tpu.memref_squeeze %dma_start3A_382 : memref<1x!tpu.dma_semaphore, #tpu.memory_space<semaphore_mem>> -> memref<!tpu.dma_semaphore, #tpu.memory_space<semaphore_mem>>
        %dma_start3A_384 = arith.constant 0 : i32
        %dma_start3A_385 = arith.constant 0 : i32
        %dma_start3A_386 = tpu.memref_slice %arg6[%dma_start3A_374, %dma_start3A_384, %dma_start3A_385] : memref<4x2x4096xf32, #tpu.memory_space<vmem>> -> memref<1x2x4096xf32, #tpu.memory_space<vmem>>
        %dma_start3A_387 = tpu.memref_squeeze %dma_start3A_386 : memref<1x2x4096xf32, #tpu.memory_space<vmem>> -> memref<2x4096xf32, #tpu.memory_space<vmem>>
        %dma_start3A_388 = arith.constant 0 : i32
        %dma_start3A_389 = tpu.memref_slice %arg2[%add3A_373, %dma_start3A_388] : memref<8192x4096xf32, #tpu.memory_space<hbm>> -> memref<2x4096xf32, #tpu.memory_space<hbm>>
        tpu.enqueue_dma source(%dma_start3A_389 : memref<2x4096xf32, #tpu.memory_space<hbm>>) target(%dma_start3A_387 : memref<2x4096xf32, #tpu.memory_space<vmem>>) target_semaphore(%dma_start3A_383 : memref<!tpu.dma_semaphore, #tpu.memory_space<semaphore_mem>>)
      } else {
      }
      %add3A_314 = arith.constant 3 : i32
      %add3A_315 = arith.addi %add3A_153, %add3A_314 : i32
      %mul3A_316 = arith.constant 2 : i32
      %mul3A_317 = arith.muli %add3A_315, %mul3A_316 : i32
      %add3A_318 = arith.addi %mul3A_2, %mul3A_317 : i32
      %dma_wait3A_319 = arith.constant 3 : i32
      %dma_wait3A_320 = arith.constant 3 : i32
      %dma_wait3A_321 = arith.constant 0 : i32
      %dma_wait3A_322 = arith.constant 0 : i32
      %dma_wait3A_323 = tpu.memref_slice %arg6[%dma_wait3A_319, %dma_wait3A_321, %dma_wait3A_322] : memref<4x2x4096xf32, #tpu.memory_space<vmem>> -> memref<1x2x4096xf32, #tpu.memory_space<vmem>>
      %dma_wait3A_324 = tpu.memref_squeeze %dma_wait3A_323 : memref<1x2x4096xf32, #tpu.memory_space<vmem>> -> memref<2x4096xf32, #tpu.memory_space<vmem>>
      %dma_wait3A_325 = arith.constant 0 : i32
      %dma_wait3A_326 = tpu.memref_slice %arg2[%add3A_318, %dma_wait3A_325] : memref<8192x4096xf32, #tpu.memory_space<hbm>> -> memref<2x4096xf32, #tpu.memory_space<hbm>>
      %dma_wait3A_327 = tpu.memref_slice %arg8[%dma_wait3A_320] : memref<4x!tpu.dma_semaphore, #tpu.memory_space<semaphore_mem>> -> memref<1x!tpu.dma_semaphore, #tpu.memory_space<semaphore_mem>>
      %dma_wait3A_328 = tpu.memref_squeeze %dma_wait3A_327 : memref<1x!tpu.dma_semaphore, #tpu.memory_space<semaphore_mem>> -> memref<!tpu.dma_semaphore, #tpu.memory_space<semaphore_mem>>
      %dma_wait3A_329 = arith.constant 0 : i32
      %dma_wait3A_330 = arith.constant 0 : i32
      %dma_wait3A_331 = tpu.memref_slice %arg6[%dma_wait3A_319, %dma_wait3A_329, %dma_wait3A_330] : memref<4x2x4096xf32, #tpu.memory_space<vmem>> -> memref<1x2x4096xf32, #tpu.memory_space<vmem>>
      %dma_wait3A_332 = tpu.memref_squeeze %dma_wait3A_331 : memref<1x2x4096xf32, #tpu.memory_space<vmem>> -> memref<2x4096xf32, #tpu.memory_space<vmem>>
      %dma_wait3A_333 = arith.constant 0 : i32
      %dma_wait3A_334 = tpu.memref_slice %arg2[%add3A_318, %dma_wait3A_333] : memref<8192x4096xf32, #tpu.memory_space<hbm>> -> memref<2x4096xf32, #tpu.memory_space<hbm>>
      tpu.wait_dma2 semaphore(%dma_wait3A_328 : memref<!tpu.dma_semaphore, #tpu.memory_space<semaphore_mem>>) src(%dma_wait3A_334 : memref<2x4096xf32, #tpu.memory_space<hbm>>) dst(%dma_wait3A_332 : memref<2x4096xf32, #tpu.memory_space<vmem>>)
      %gt3A_335 = arith.constant 0 : i32
      %gt3A_336 = arith.cmpi sgt, %add3A_153, %gt3A_335 : i32
      %convert_element_type3A_337 = arith.extui %gt3A_336 : i1 to i32
      %cond3A_338 = arith.constant 0 : i32
      %cond3A_339 = arith.cmpi ne, %convert_element_type3A_337, %cond3A_338 : i32
      scf.if %cond3A_339 {
        %sub3A = arith.constant 4 : i32
        %sub3A_369 = arith.subi %add3A_315, %sub3A : i32
        %mul3A_370 = arith.constant 2 : i32
        %mul3A_371 = arith.muli %sub3A_369, %mul3A_370 : i32
        %add3A_372 = arith.addi %mul3A_2, %mul3A_371 : i32
        %dma_wait3A_373 = arith.constant 3 : i32
        %dma_wait3A_374 = arith.constant 3 : i32
        %dma_wait3A_375 = arith.constant 0 : i32
        %dma_wait3A_376 = arith.constant 0 : i32
        %dma_wait3A_377 = tpu.memref_slice %arg7[%dma_wait3A_373, %dma_wait3A_375, %dma_wait3A_376] : memref<4x2x4096xf32, #tpu.memory_space<vmem>> -> memref<1x2x4096xf32, #tpu.memory_space<vmem>>
        %dma_wait3A_378 = tpu.memref_squeeze %dma_wait3A_377 : memref<1x2x4096xf32, #tpu.memory_space<vmem>> -> memref<2x4096xf32, #tpu.memory_space<vmem>>
        %dma_wait3A_379 = arith.constant 0 : i32
        %dma_wait3A_380 = tpu.memref_slice %arg4[%add3A_372, %dma_wait3A_379] : memref<8192x4096xf32, #tpu.memory_space<hbm>> -> memref<2x4096xf32, #tpu.memory_space<hbm>>
        %dma_wait3A_381 = tpu.memref_slice %arg9[%dma_wait3A_374] : memref<4x!tpu.dma_semaphore, #tpu.memory_space<semaphore_mem>> -> memref<1x!tpu.dma_semaphore, #tpu.memory_space<semaphore_mem>>
        %dma_wait3A_382 = tpu.memref_squeeze %dma_wait3A_381 : memref<1x!tpu.dma_semaphore, #tpu.memory_space<semaphore_mem>> -> memref<!tpu.dma_semaphore, #tpu.memory_space<semaphore_mem>>
        %dma_wait3A_383 = arith.constant 0 : i32
        %dma_wait3A_384 = tpu.memref_slice %arg4[%add3A_372, %dma_wait3A_383] : memref<8192x4096xf32, #tpu.memory_space<hbm>> -> memref<2x4096xf32, #tpu.memory_space<hbm>>
        %dma_wait3A_385 = arith.constant 0 : i32
        %dma_wait3A_386 = arith.constant 0 : i32
        %dma_wait3A_387 = tpu.memref_slice %arg7[%dma_wait3A_373, %dma_wait3A_385, %dma_wait3A_386] : memref<4x2x4096xf32, #tpu.memory_space<vmem>> -> memref<1x2x4096xf32, #tpu.memory_space<vmem>>
        %dma_wait3A_388 = tpu.memref_squeeze %dma_wait3A_387 : memref<1x2x4096xf32, #tpu.memory_space<vmem>> -> memref<2x4096xf32, #tpu.memory_space<vmem>>
        tpu.wait_dma2 semaphore(%dma_wait3A_382 : memref<!tpu.dma_semaphore, #tpu.memory_space<semaphore_mem>>) src(%dma_wait3A_388 : memref<2x4096xf32, #tpu.memory_space<vmem>>) dst(%dma_wait3A_384 : memref<2x4096xf32, #tpu.memory_space<hbm>>)
      } else {
      }
      %parallel_loop3A_340 = arith.constant 0 : i32
      %parallel_loop3A_341 = arith.constant 4096 : i32
      %parallel_loop3A_342 = arith.constant 16 : i32
      scf.for %parallel_loop3A_369 = %parallel_loop3A_340 to %parallel_loop3A_341 step %parallel_loop3A_342  : i32 {
        %parallel_loop3A_370 = arith.index_cast %parallel_loop3A_369 : i32 to index
        %parallel_loop3A_371 = tpu.vector_load %arg5[%parallel_loop3A_370] {strides = array<i32>} : memref<4096xi32, #tpu.memory_space<vmem>>, vector<16xi32>,
        %parallel_loop3A_372 = arith.constant 0 : i32
        %parallel_loop3A_373 = vector.broadcast %parallel_loop3A_372 : i32 to vector<16xi32>
        %parallel_loop3A_374 = arith.constant 3 : i32
        %parallel_loop3A_375 = arith.constant 0 : i32
        %parallel_loop3A_376 = arith.constant 0 : i32
        %parallel_loop3A_377 = tpu.memref_slice %arg6[%parallel_loop3A_374, %parallel_loop3A_375, %parallel_loop3A_376] : memref<4x2x4096xf32, #tpu.memory_space<vmem>> -> memref<1x2x4096xf32, #tpu.memory_space<vmem>>
        %parallel_loop3A_378 = tpu.memref_squeeze %parallel_loop3A_377 : memref<1x2x4096xf32, #tpu.memory_space<vmem>> -> memref<2x4096xf32, #tpu.memory_space<vmem>>
        %parallel_loop3A_379 = tpu.vector_load_idx %parallel_loop3A_378[%parallel_loop3A_373, %parallel_loop3A_371] : memref<2x4096xf32, #tpu.memory_space<vmem>>[vector<16xi32>, vector<16xi32>], vector<16xf32>,
        %parallel_loop3A_380 = arith.constant 3 : i32
        %parallel_loop3A_381 = arith.constant 0 : i32
        %parallel_loop3A_382 = arith.index_cast %parallel_loop3A_380 : i32 to index
        %parallel_loop3A_383 = arith.index_cast %parallel_loop3A_381 : i32 to index
        %parallel_loop3A_384 = arith.index_cast %parallel_loop3A_369 : i32 to index
        %parallel_loop3A_385 = tpu.vector_load %arg7[%parallel_loop3A_382, %parallel_loop3A_383, %parallel_loop3A_384] {strides = array<i32>} : memref<4x2x4096xf32, #tpu.memory_space<vmem>>, vector<16xf32>,
        tpu.vector_store %arg7[%parallel_loop3A_382, %parallel_loop3A_383, %parallel_loop3A_384], %parallel_loop3A_379 {strides = array<i32>} : memref<4x2x4096xf32, #tpu.memory_space<vmem>>, vector<16xf32>,
        %parallel_loop3A_386 = arith.constant 1 : i32
        %parallel_loop3A_387 = vector.broadcast %parallel_loop3A_386 : i32 to vector<16xi32>
        %parallel_loop3A_388 = arith.constant 3 : i32
        %parallel_loop3A_389 = arith.constant 0 : i32
        %parallel_loop3A_390 = arith.constant 0 : i32
        %parallel_loop3A_391 = tpu.memref_slice %arg6[%parallel_loop3A_388, %parallel_loop3A_389, %parallel_loop3A_390] : memref<4x2x4096xf32, #tpu.memory_space<vmem>> -> memref<1x2x4096xf32, #tpu.memory_space<vmem>>
        %parallel_loop3A_392 = tpu.memref_squeeze %parallel_loop3A_391 : memref<1x2x4096xf32, #tpu.memory_space<vmem>> -> memref<2x4096xf32, #tpu.memory_space<vmem>>
        %parallel_loop3A_393 = tpu.vector_load_idx %parallel_loop3A_392[%parallel_loop3A_387, %parallel_loop3A_371] : memref<2x4096xf32, #tpu.memory_space<vmem>>[vector<16xi32>, vector<16xi32>], vector<16xf32>,
        %parallel_loop3A_394 = arith.constant 3 : i32
        %parallel_loop3A_395 = arith.constant 1 : i32
        %parallel_loop3A_396 = arith.index_cast %parallel_loop3A_394 : i32 to index
        %parallel_loop3A_397 = arith.index_cast %parallel_loop3A_395 : i32 to index
        %parallel_loop3A_398 = arith.index_cast %parallel_loop3A_369 : i32 to index
        %parallel_loop3A_399 = tpu.vector_load %arg7[%parallel_loop3A_396, %parallel_loop3A_397, %parallel_loop3A_398] {strides = array<i32>} : memref<4x2x4096xf32, #tpu.memory_space<vmem>>, vector<16xf32>,
        tpu.vector_store %arg7[%parallel_loop3A_396, %parallel_loop3A_397, %parallel_loop3A_398], %parallel_loop3A_393 {strides = array<i32>} : memref<4x2x4096xf32, #tpu.memory_space<vmem>>, vector<16xf32>,
      } {sc.loop_unroll_factor = 8 : i64, sc.parallel_access}
      %mul3A_343 = arith.constant 2 : i32
      %mul3A_344 = arith.muli %add3A_315, %mul3A_343 : i32
      %add3A_345 = arith.addi %mul3A_2, %mul3A_344 : i32
      %dma_start3A_346 = arith.constant 3 : i32
      %dma_start3A_347 = arith.constant 3 : i32
      %dma_start3A_348 = arith.constant 0 : i32
      %dma_start3A_349 = arith.constant 0 : i32
      %dma_start3A_350 = tpu.memref_slice %arg7[%dma_start3A_346, %dma_start3A_348, %dma_start3A_349] : memref<4x2x4096xf32, #tpu.memory_space<vmem>> -> memref<1x2x4096xf32, #tpu.memory_space<vmem>>
      %dma_start3A_351 = tpu.memref_squeeze %dma_start3A_350 : memref<1x2x4096xf32, #tpu.memory_space<vmem>> -> memref<2x4096xf32, #tpu.memory_space<vmem>>
      %dma_start3A_352 = arith.constant 0 : i32
      %dma_start3A_353 = tpu.memref_slice %arg4[%add3A_345, %dma_start3A_352] : memref<8192x4096xf32, #tpu.memory_space<hbm>> -> memref<2x4096xf32, #tpu.memory_space<hbm>>
      %dma_start3A_354 = tpu.memref_slice %arg9[%dma_start3A_347] : memref<4x!tpu.dma_semaphore, #tpu.memory_space<semaphore_mem>> -> memref<1x!tpu.dma_semaphore, #tpu.memory_space<semaphore_mem>>
      %dma_start3A_355 = tpu.memref_squeeze %dma_start3A_354 : memref<1x!tpu.dma_semaphore, #tpu.memory_space<semaphore_mem>> -> memref<!tpu.dma_semaphore, #tpu.memory_space<semaphore_mem>>
      %dma_start3A_356 = arith.constant 0 : i32
      %dma_start3A_357 = tpu.memref_slice %arg4[%add3A_345, %dma_start3A_356] : memref<8192x4096xf32, #tpu.memory_space<hbm>> -> memref<2x4096xf32, #tpu.memory_space<hbm>>
      %dma_start3A_358 = arith.constant 0 : i32
      %dma_start3A_359 = arith.constant 0 : i32
      %dma_start3A_360 = tpu.memref_slice %arg7[%dma_start3A_346, %dma_start3A_358, %dma_start3A_359] : memref<4x2x4096xf32, #tpu.memory_space<vmem>> -> memref<1x2x4096xf32, #tpu.memory_space<vmem>>
      %dma_start3A_361 = tpu.memref_squeeze %dma_start3A_360 : memref<1x2x4096xf32, #tpu.memory_space<vmem>> -> memref<2x4096xf32, #tpu.memory_space<vmem>>
      tpu.enqueue_dma source(%dma_start3A_361 : memref<2x4096xf32, #tpu.memory_space<vmem>>) target(%dma_start3A_357 : memref<2x4096xf32, #tpu.memory_space<hbm>>) target_semaphore(%dma_start3A_355 : memref<!tpu.dma_semaphore, #tpu.memory_space<semaphore_mem>>)
      %add3A_362 = arith.constant 4 : i32
      %add3A_363 = arith.addi %add3A_315, %add3A_362 : i32
      %lt3A_364 = arith.constant 128 : i32
      %lt3A_365 = arith.cmpi slt, %add3A_363, %lt3A_364 : i32
      %convert_element_type3A_366 = arith.extui %lt3A_365 : i1 to i32
      %cond3A_367 = arith.constant 0 : i32
      %cond3A_368 = arith.cmpi ne, %convert_element_type3A_366, %cond3A_367 : i32
      scf.if %cond3A_368 {
        %add3A_369 = arith.constant 4 : i32
        %add3A_370 = arith.addi %add3A_315, %add3A_369 : i32
        %mul3A_371 = arith.constant 2 : i32
        %mul3A_372 = arith.muli %add3A_370, %mul3A_371 : i32
        %add3A_373 = arith.addi %mul3A_2, %mul3A_372 : i32
        %dma_start3A_374 = arith.constant 3 : i32
        %dma_start3A_375 = arith.constant 3 : i32
        %dma_start3A_376 = arith.constant 0 : i32
        %dma_start3A_377 = arith.constant 0 : i32
        %dma_start3A_378 = tpu.memref_slice %arg6[%dma_start3A_374, %dma_start3A_376, %dma_start3A_377] : memref<4x2x4096xf32, #tpu.memory_space<vmem>> -> memref<1x2x4096xf32, #tpu.memory_space<vmem>>
        %dma_start3A_379 = tpu.memref_squeeze %dma_start3A_378 : memref<1x2x4096xf32, #tpu.memory_space<vmem>> -> memref<2x4096xf32, #tpu.memory_space<vmem>>
        %dma_start3A_380 = arith.constant 0 : i32
        %dma_start3A_381 = tpu.memref_slice %arg2[%add3A_373, %dma_start3A_380] : memref<8192x4096xf32, #tpu.memory_space<hbm>> -> memref<2x4096xf32, #tpu.memory_space<hbm>>
        %dma_start3A_382 = tpu.memref_slice %arg8[%dma_start3A_375] : memref<4x!tpu.dma_semaphore, #tpu.memory_space<semaphore_mem>> -> memref<1x!tpu.dma_semaphore, #tpu.memory_space<semaphore_mem>>
        %dma_start3A_383 = tpu.memref_squeeze %dma_start3A_382 : memref<1x!tpu.dma_semaphore, #tpu.memory_space<semaphore_mem>> -> memref<!tpu.dma_semaphore, #tpu.memory_space<semaphore_mem>>
        %dma_start3A_384 = arith.constant 0 : i32
        %dma_start3A_385 = arith.constant 0 : i32
        %dma_start3A_386 = tpu.memref_slice %arg6[%dma_start3A_374, %dma_start3A_384, %dma_start3A_385] : memref<4x2x4096xf32, #tpu.memory_space<vmem>> -> memref<1x2x4096xf32, #tpu.memory_space<vmem>>
        %dma_start3A_387 = tpu.memref_squeeze %dma_start3A_386 : memref<1x2x4096xf32, #tpu.memory_space<vmem>> -> memref<2x4096xf32, #tpu.memory_space<vmem>>
        %dma_start3A_388 = arith.constant 0 : i32
        %dma_start3A_389 = tpu.memref_slice %arg2[%add3A_373, %dma_start3A_388] : memref<8192x4096xf32, #tpu.memory_space<hbm>> -> memref<2x4096xf32, #tpu.memory_space<hbm>>
        tpu.enqueue_dma source(%dma_start3A_389 : memref<2x4096xf32, #tpu.memory_space<hbm>>) target(%dma_start3A_387 : memref<2x4096xf32, #tpu.memory_space<vmem>>) target_semaphore(%dma_start3A_383 : memref<!tpu.dma_semaphore, #tpu.memory_space<semaphore_mem>>)
      } else {
      }
    }
    %scan3A_77 = arith.constant 32 : i32
    %add3A_78 = arith.constant 248 : i32
    %add3A_79 = arith.addi %mul3A_2, %add3A_78 : i32
    %dma_wait3A = arith.constant 0 : i32
    %dma_wait3A_80 = arith.constant 0 : i32
    %dma_wait3A_81 = arith.constant 0 : i32
    %dma_wait3A_82 = arith.constant 0 : i32
    %dma_wait3A_83 = tpu.memref_slice %arg7[%dma_wait3A, %dma_wait3A_81, %dma_wait3A_82] : memref<4x2x4096xf32, #tpu.memory_space<vmem>> -> memref<1x2x4096xf32, #tpu.memory_space<vmem>>
    %dma_wait3A_84 = tpu.memref_squeeze %dma_wait3A_83 : memref<1x2x4096xf32, #tpu.memory_space<vmem>> -> memref<2x4096xf32, #tpu.memory_space<vmem>>
    %dma_wait3A_85 = arith.constant 0 : i32
    %dma_wait3A_86 = tpu.memref_slice %arg4[%add3A_79, %dma_wait3A_85] : memref<8192x4096xf32, #tpu.memory_space<hbm>> -> memref<2x4096xf32, #tpu.memory_space<hbm>>
    %dma_wait3A_87 = tpu.memref_slice %arg9[%dma_wait3A_80] : memref<4x!tpu.dma_semaphore, #tpu.memory_space<semaphore_mem>> -> memref<1x!tpu.dma_semaphore, #tpu.memory_space<semaphore_mem>>
    %dma_wait3A_88 = tpu.memref_squeeze %dma_wait3A_87 : memref<1x!tpu.dma_semaphore, #tpu.memory_space<semaphore_mem>> -> memref<!tpu.dma_semaphore, #tpu.memory_space<semaphore_mem>>
    %dma_wait3A_89 = arith.constant 0 : i32
    %dma_wait3A_90 = tpu.memref_slice %arg4[%add3A_79, %dma_wait3A_89] : memref<8192x4096xf32, #tpu.memory_space<hbm>> -> memref<2x4096xf32, #tpu.memory_space<hbm>>
    %dma_wait3A_91 = arith.constant 0 : i32
    %dma_wait3A_92 = arith.constant 0 : i32
    %dma_wait3A_93 = tpu.memref_slice %arg7[%dma_wait3A, %dma_wait3A_91, %dma_wait3A_92] : memref<4x2x4096xf32, #tpu.memory_space<vmem>> -> memref<1x2x4096xf32, #tpu.memory_space<vmem>>
    %dma_wait3A_94 = tpu.memref_squeeze %dma_wait3A_93 : memref<1x2x4096xf32, #tpu.memory_space<vmem>> -> memref<2x4096xf32, #tpu.memory_space<vmem>>
    tpu.wait_dma2 semaphore(%dma_wait3A_88 : memref<!tpu.dma_semaphore, #tpu.memory_space<semaphore_mem>>) src(%dma_wait3A_94 : memref<2x4096xf32, #tpu.memory_space<vmem>>) dst(%dma_wait3A_90 : memref<2x4096xf32, #tpu.memory_space<hbm>>)
    %add3A_95 = arith.constant 250 : i32
    %add3A_96 = arith.addi %mul3A_2, %add3A_95 : i32
    %dma_wait3A_97 = arith.constant 1 : i32
    %dma_wait3A_98 = arith.constant 1 : i32
    %dma_wait3A_99 = arith.constant 0 : i32
    %dma_wait3A_100 = arith.constant 0 : i32
    %dma_wait3A_101 = tpu.memref_slice %arg7[%dma_wait3A_97, %dma_wait3A_99, %dma_wait3A_100] : memref<4x2x4096xf32, #tpu.memory_space<vmem>> -> memref<1x2x4096xf32, #tpu.memory_space<vmem>>
    %dma_wait3A_102 = tpu.memref_squeeze %dma_wait3A_101 : memref<1x2x4096xf32, #tpu.memory_space<vmem>> -> memref<2x4096xf32, #tpu.memory_space<vmem>>
    %dma_wait3A_103 = arith.constant 0 : i32
    %dma_wait3A_104 = tpu.memref_slice %arg4[%add3A_96, %dma_wait3A_103] : memref<8192x4096xf32, #tpu.memory_space<hbm>> -> memref<2x4096xf32, #tpu.memory_space<hbm>>
    %dma_wait3A_105 = tpu.memref_slice %arg9[%dma_wait3A_98] : memref<4x!tpu.dma_semaphore, #tpu.memory_space<semaphore_mem>> -> memref<1x!tpu.dma_semaphore, #tpu.memory_space<semaphore_mem>>
    %dma_wait3A_106 = tpu.memref_squeeze %dma_wait3A_105 : memref<1x!tpu.dma_semaphore, #tpu.memory_space<semaphore_mem>> -> memref<!tpu.dma_semaphore, #tpu.memory_space<semaphore_mem>>
    %dma_wait3A_107 = arith.constant 0 : i32
    %dma_wait3A_108 = tpu.memref_slice %arg4[%add3A_96, %dma_wait3A_107] : memref<8192x4096xf32, #tpu.memory_space<hbm>> -> memref<2x4096xf32, #tpu.memory_space<hbm>>
    %dma_wait3A_109 = arith.constant 0 : i32
    %dma_wait3A_110 = arith.constant 0 : i32
    %dma_wait3A_111 = tpu.memref_slice %arg7[%dma_wait3A_97, %dma_wait3A_109, %dma_wait3A_110] : memref<4x2x4096xf32, #tpu.memory_space<vmem>> -> memref<1x2x4096xf32, #tpu.memory_space<vmem>>
    %dma_wait3A_112 = tpu.memref_squeeze %dma_wait3A_111 : memref<1x2x4096xf32, #tpu.memory_space<vmem>> -> memref<2x4096xf32, #tpu.memory_space<vmem>>
    tpu.wait_dma2 semaphore(%dma_wait3A_106 : memref<!tpu.dma_semaphore, #tpu.memory_space<semaphore_mem>>) src(%dma_wait3A_112 : memref<2x4096xf32, #tpu.memory_space<vmem>>) dst(%dma_wait3A_108 : memref<2x4096xf32, #tpu.memory_space<hbm>>)
    %add3A_113 = arith.constant 252 : i32
    %add3A_114 = arith.addi %mul3A_2, %add3A_113 : i32
    %dma_wait3A_115 = arith.constant 2 : i32
    %dma_wait3A_116 = arith.constant 2 : i32
    %dma_wait3A_117 = arith.constant 0 : i32
    %dma_wait3A_118 = arith.constant 0 : i32
    %dma_wait3A_119 = tpu.memref_slice %arg7[%dma_wait3A_115, %dma_wait3A_117, %dma_wait3A_118] : memref<4x2x4096xf32, #tpu.memory_space<vmem>> -> memref<1x2x4096xf32, #tpu.memory_space<vmem>>
    %dma_wait3A_120 = tpu.memref_squeeze %dma_wait3A_119 : memref<1x2x4096xf32, #tpu.memory_space<vmem>> -> memref<2x4096xf32, #tpu.memory_space<vmem>>
    %dma_wait3A_121 = arith.constant 0 : i32
    %dma_wait3A_122 = tpu.memref_slice %arg4[%add3A_114, %dma_wait3A_121] : memref<8192x4096xf32, #tpu.memory_space<hbm>> -> memref<2x4096xf32, #tpu.memory_space<hbm>>
    %dma_wait3A_123 = tpu.memref_slice %arg9[%dma_wait3A_116] : memref<4x!tpu.dma_semaphore, #tpu.memory_space<semaphore_mem>> -> memref<1x!tpu.dma_semaphore, #tpu.memory_space<semaphore_mem>>
    %dma_wait3A_124 = tpu.memref_squeeze %dma_wait3A_123 : memref<1x!tpu.dma_semaphore, #tpu.memory_space<semaphore_mem>> -> memref<!tpu.dma_semaphore, #tpu.memory_space<semaphore_mem>>
    %dma_wait3A_125 = arith.constant 0 : i32
    %dma_wait3A_126 = tpu.memref_slice %arg4[%add3A_114, %dma_wait3A_125] : memref<8192x4096xf32, #tpu.memory_space<hbm>> -> memref<2x4096xf32, #tpu.memory_space<hbm>>
    %dma_wait3A_127 = arith.constant 0 : i32
    %dma_wait3A_128 = arith.constant 0 : i32
    %dma_wait3A_129 = tpu.memref_slice %arg7[%dma_wait3A_115, %dma_wait3A_127, %dma_wait3A_128] : memref<4x2x4096xf32, #tpu.memory_space<vmem>> -> memref<1x2x4096xf32, #tpu.memory_space<vmem>>
    %dma_wait3A_130 = tpu.memref_squeeze %dma_wait3A_129 : memref<1x2x4096xf32, #tpu.memory_space<vmem>> -> memref<2x4096xf32, #tpu.memory_space<vmem>>
    tpu.wait_dma2 semaphore(%dma_wait3A_124 : memref<!tpu.dma_semaphore, #tpu.memory_space<semaphore_mem>>) src(%dma_wait3A_130 : memref<2x4096xf32, #tpu.memory_space<vmem>>) dst(%dma_wait3A_126 : memref<2x4096xf32, #tpu.memory_space<hbm>>)
    %add3A_131 = arith.constant 254 : i32
    %add3A_132 = arith.addi %mul3A_2, %add3A_131 : i32
    %dma_wait3A_133 = arith.constant 3 : i32
    %dma_wait3A_134 = arith.constant 3 : i32
    %dma_wait3A_135 = arith.constant 0 : i32
    %dma_wait3A_136 = arith.constant 0 : i32
    %dma_wait3A_137 = tpu.memref_slice %arg7[%dma_wait3A_133, %dma_wait3A_135, %dma_wait3A_136] : memref<4x2x4096xf32, #tpu.memory_space<vmem>> -> memref<1x2x4096xf32, #tpu.memory_space<vmem>>
    %dma_wait3A_138 = tpu.memref_squeeze %dma_wait3A_137 : memref<1x2x4096xf32, #tpu.memory_space<vmem>> -> memref<2x4096xf32, #tpu.memory_space<vmem>>
    %dma_wait3A_139 = arith.constant 0 : i32
    %dma_wait3A_140 = tpu.memref_slice %arg4[%add3A_132, %dma_wait3A_139] : memref<8192x4096xf32, #tpu.memory_space<hbm>> -> memref<2x4096xf32, #tpu.memory_space<hbm>>
    %dma_wait3A_141 = tpu.memref_slice %arg9[%dma_wait3A_134] : memref<4x!tpu.dma_semaphore, #tpu.memory_space<semaphore_mem>> -> memref<1x!tpu.dma_semaphore, #tpu.memory_space<semaphore_mem>>
    %dma_wait3A_142 = tpu.memref_squeeze %dma_wait3A_141 : memref<1x!tpu.dma_semaphore, #tpu.memory_space<semaphore_mem>> -> memref<!tpu.dma_semaphore, #tpu.memory_space<semaphore_mem>>
    %dma_wait3A_143 = arith.constant 0 : i32
    %dma_wait3A_144 = tpu.memref_slice %arg4[%add3A_132, %dma_wait3A_143] : memref<8192x4096xf32, #tpu.memory_space<hbm>> -> memref<2x4096xf32, #tpu.memory_space<hbm>>
    %dma_wait3A_145 = arith.constant 0 : i32
    %dma_wait3A_146 = arith.constant 0 : i32
    %dma_wait3A_147 = tpu.memref_slice %arg7[%dma_wait3A_133, %dma_wait3A_145, %dma_wait3A_146] : memref<4x2x4096xf32, #tpu.memory_space<vmem>> -> memref<1x2x4096xf32, #tpu.memory_space<vmem>>
    %dma_wait3A_148 = tpu.memref_squeeze %dma_wait3A_147 : memref<1x2x4096xf32, #tpu.memory_space<vmem>> -> memref<2x4096xf32, #tpu.memory_space<vmem>>
    tpu.wait_dma2 semaphore(%dma_wait3A_142 : memref<!tpu.dma_semaphore, #tpu.memory_space<semaphore_mem>>) src(%dma_wait3A_148 : memref<2x4096xf32, #tpu.memory_space<vmem>>) dst(%dma_wait3A_144 : memref<2x4096xf32, #tpu.memory_space<hbm>>)
    return
  }
}

</mosaic_0001>

<sc_bundles>
// kernel: kernel.3.cloned.1.call-start
scs
__scs_entry_jumppad:
0x0: {  	(pc) =	sbr.rel $0x88, $3  }
0x1: {  	(tag) =	ssettag $0x0;
	lr =	simm.s32 $0x1  }
0x2: {  	[smem:$0x3F9F] =	sst lr;
	_ =	strace $0xD0000000  }
0x3: {  	_ = 	snop  }
0x4: {  	_ = 	snop  }
0x5: {  	_ = 	snop  }
0x6: {  	_ = 	snop  }
0x7: {  	_ = 	snop  }
__scs_overlays_trampoline_lowered:
0x8: {  	[smem:$0x3FAE] =	sst s0  }
0x9: {  	[smem:$0x3FAF] =	sst s1  }
0xa: {  	[smem:$0x3FB0] =	sst s2  }
0xb: {  	[smem:$0x3FB1] =	sst s3  }
0xc: {  	[smem:$0x3FB2] =	sst s4  }
0xd: {  	[smem:$0x3FB3] =	sst s5  }
0xe: {  	[smem:$0x3FB4] =	sst s6  }
0xf: {  	[smem:$0x3FB5] =	sst s7  }
0x10: {  	[smem:$0x3FB6] =	sst s8  }
0x11: {  	[smem:$0x3FB7] =	sst s9;
	s0 =	simm.s32 @!p0 $0x0  }
0x12: {  	s1 =	sld [smem:$0x3F9D];
	s0 =	simm.s32 @p0 $0x1  }
0x13: {  	[smem:$0x3FB8] =	sst s0;
	s0 =	simm.s32 @!p1 $0x0  }
0x14: {  	s2 =	sld [smem:$0x3F9C];
	s0 =	simm.s32 @p1 $0x1  }
0x15: {  	[smem:$0x3FB9] =	sst s0;
	s0 =	simm.s32 @!p2 $0x0  }
0x16: {  	s3 =	sld [smem:$0x3FDB];
	s0 =	simm.s32 @p2 $0x1  }
0x17: {  	s4 =	simm.s32 $0x1BF5;
	[smem:$0x3FBB] =	sst s0  }
0x18: {  	s0 =	sld [smem:$0x3F9E];
	_ =	swait.ge [sflag:s4], $0x0  }
0x19: {  	s7 =	sld [smem:$0x3F9F]  }
0x1a: {  	s8 =	sadd.s32 $0xFFFFE003, lr  }
0x1b: {  	s9 =	sadd.s32 $0xFFFFFEF7, lr;
	s5 =	simm.s32 $0xFFFFFFFF;
	p2 =	slt.u32 s8, $0xFFFFF086  }
0x1c: {  	p1 =	slt.u32 s9, $0xF7A;
	s5 =	simm.s32 @!p2 $0x0  }
0x1d: {  	s5 =	simm.s32 @p1 $0x1;
	p0 =	seq.s32 s7, s2  }
0x1e: {  	s7 =	smul.u32 @!p0 $0xF7A, s2;
	p2 =	seq.s32 @!p0 s5, $0x0  }
0x1f: {  	s9 =	smul.u32 $0xF7A, s1;
	s8 =	simm.s32 @!p0 $0x1BF5;
	p2 =	por !p2, p0  }
0x20: {  	[sflag:s8] =	ssyncset.s32 @!p0 $0xFFFFF086;
	s6 =	sadd.s32 @!p0 s3, s7;
	s7 =	simm.s32 @!p0 $0x108  }
0x21: {  	s3 =	sadd.s32 s3, s9;
	s6 =	sadd.s32 @!p0 $0x88, s6;
	s7 =	simm.s32 @p2 $0x1082  }
0x22: {  	[simem:s7], [sflag:s8] =	dma.local @!p0 [hbm:s6], $0xF7A  }
0x23: {  	s9 =	sor.u32 $0xD0000000, s2;
	s6 =	simm.s32 $0x108;
	_ =	swait.ge @!p0 [sflag:s8], $0x0  }
0x24: {  	s3 =	sadd.s32 $0x88, s3;
	s6 =	simm.s32 @!p1 $0x1082;
	[sflag:s4] =	ssyncset.s32 $0xFFFFF086  }
0x25: {  	[simem:s6], [sflag:s4] =	dma.local [hbm:s3], $0xF7A  }
0x26: {  	[smem:$0x3F9F] =	sst s1;
	(tag) =	ssettag s2;
	_ =	strace s9  }
0x27: {  	s1 =	sld [smem:$0x3FAF]  }
0x28: {  	s2 =	sld [smem:$0x3FB0]  }
0x29: {  	s4 =	sld [smem:$0x3FB2]  }
0x2a: {  	p0 =	seq.s32 s5, $0x0;
	s5 =	sld [smem:$0x3FB3]  }
0x2b: {  	s6 =	sld [smem:$0x3FB4]  }
0x2c: {  	s7 =	sld [smem:$0x3FB5]  }
0x2d: {  	s3 =	simm.s32 $0x108;
	s8 =	sld [smem:$0x3FB6]  }
0x2e: {  	s3 =	simm.s32 @!p0 $0x1082;
	s9 =	sld [smem:$0x3FB7]  }
0x2f: {  	lr =	sadd.s32 s0, s3;
	s0 =	sld [smem:$0x3FAE]  }
0x30: {  	s3 =	sld [smem:$0x3FB1]  }
0x31: {  	[smem:$0x3FBA] =	sst s10  }
0x32: {  	s10 =	sld [smem:$0x3FB8];
	_ =	sdelay $0x3  }
0x33: {  	p0 =	seq.s32 s10, $0x1;
	s10 =	sld [smem:$0x3FBA];
	_ =	sdelay $0x3  }
0x34: {  	[smem:$0x3FBA] =	sst s10  }
0x35: {  	s10 =	sld [smem:$0x3FB9];
	_ =	sdelay $0x3  }
0x36: {  	p1 =	seq.s32 s10, $0x1;
	s10 =	sld [smem:$0x3FBA];
	_ =	sdelay $0x3  }
0x37: {  	[smem:$0x3FBA] =	sst s10  }
0x38: {  	s10 =	sld [smem:$0x3FBB]  }
0x39: {  	_ = 	snop;
	(pc) =	sbr.ind lr, $3  }
0x3a: {  	_ = 	snop  }
0x3b: {  	_ = 	snop  }
0x3c: {  	p2 =	seq.s32 s10, $0x1;
	s10 =	sld [smem:$0x3FBA]  }
0x3d: {  	_ =	shalt  }
0x3e: {  	_ =	shalt  }
0x3f: {  	_ =	shalt  }
0x40: {  	_ =	shalt  }
0x41: {  	_ =	shalt  }
0x42: {  	_ =	shalt  }
0x43: {  	_ =	shalt  }
0x44: {  	_ =	shalt  }
0x45: {  	_ =	shalt  }
0x46: {  	_ =	shalt  }
0x47: {  	_ =	shalt  }
0x48: {  	_ =	shalt  }
0x49: {  	_ =	shalt  }
0x4a: {  	_ =	shalt  }
0x4b: {  	_ =	shalt  }
0x4c: {  	_ =	shalt  }
0x4d: {  	_ =	shalt  }
0x4e: {  	_ =	shalt  }
0x4f: {  	_ =	shalt  }
0x50: {  	_ =	shalt  }
0x51: {  	_ =	shalt  }
0x52: {  	_ =	shalt  }
0x53: {  	_ =	shalt  }
0x54: {  	_ =	shalt  }
0x55: {  	_ =	shalt  }
0x56: {  	_ =	shalt  }
0x57: {  	_ =	shalt  }
0x58: {  	_ =	shalt  }
0x59: {  	_ =	shalt  }
0x5a: {  	_ =	shalt  }
0x5b: {  	_ =	shalt  }
0x5c: {  	_ =	shalt  }
0x5d: {  	_ =	shalt  }
0x5e: {  	_ =	shalt  }
0x5f: {  	_ =	shalt  }
0x60: {  	_ =	shalt  }
0x61: {  	_ =	shalt  }
0x62: {  	_ =	shalt  }
0x63: {  	_ =	shalt  }
0x64: {  	_ =	shalt  }
0x65: {  	_ =	shalt  }
0x66: {  	_ =	shalt  }
0x67: {  	_ =	shalt  }
0x68: {  	_ =	shalt  }
0x69: {  	_ =	shalt  }
0x6a: {  	_ =	shalt  }
0x6b: {  	_ =	shalt  }
0x6c: {  	_ =	shalt  }
0x6d: {  	_ =	shalt  }
0x6e: {  	_ =	shalt  }
0x6f: {  	_ =	shalt  }
0x70: {  	_ =	shalt  }
0x71: {  	_ =	shalt  }
0x72: {  	_ =	shalt  }
0x73: {  	_ =	shalt  }
0x74: {  	_ =	shalt  }
0x75: {  	_ =	shalt  }
0x76: {  	_ =	shalt  }
0x77: {  	_ =	shalt  }
0x78: {  	_ =	shalt  }
0x79: {  	_ =	shalt  }
0x7a: {  	_ =	shalt  }
0x7b: {  	_ =	shalt  }
0x7c: {  	_ =	shalt  }
0x7d: {  	_ =	shalt  }
0x7e: {  	_ =	shalt  }
0x7f: {  	_ =	shalt  }
0x80: {  	_ =	shalt  }
0x81: {  	_ =	shalt  }
0x82: {  	_ =	shalt  }
0x83: {  	_ =	shalt  }
0x84: {  	_ =	shalt  }
0x85: {  	_ =	shalt  }
0x86: {  	_ =	shalt  }
0x87: {  	_ =	shalt  }
.Lfunc_end0:
.L_simem_size_0:
called_computation_lowered:
.L_overlay_start_0:
0x88: {  	s2 =	sld [smem:$0x3FD9]  }
0x89: {  	s3 =	sld [smem:$0x3FFE];
	_ =	sdelay $0x1  }
0x8a: {  	s1 =	srdreg.scid  }
0x8b: {  	s0 =	sand.u32 $0x1, s1  }
0x8c: {  	s18 =	sshll.u32 s0, $0xA;
	s2 =	sadd.s32 s3, s2  }
0x8d: {  	s2 =	sadd.s32 s2, s18  }
0x8e: {  	[smem:$0x3FC6] =	sst s2  }
0x8f: {  	_ = 	snop  }
0x90: {  	s2 =	sld [smem:$0x3FC9]  }
0x91: {  	s19 =	sld [smem:$0x3FC8]  }
0x92: {  	s4 =	sld [smem:$0x3FD0];
	(tm) =	ssettm $0x1  }
0x93: {  	s5 =	sld [smem:$0x3FFB];
	_ =	sdelay $0x3  }
0x94: {  	_ =	strace s5  }
0x95: {  	s5 =	sld [smem:$0x3FFC];
	_ =	sdelay $0x3  }
0x96: {  	_ =	strace s5  }
0x97: {  	s5 =	sld [smem:$0x3FFD];
	_ =	sdelay $0x3  }
0x98: {  	_ =	strace s5  }
0x99: {  	_ =	strace $0x8FFFFFFF  }
0x9a: {  	s20 =	sld [smem:$0x3FDB];
	_ =	sdelay $0x1  }
0x9b: {  	s6 =	simm.s32 $_scs_section_size  }
0x9c: {  	s7 =	simm.s32 $_size__tile_overlayer_lowered;
	s8 =	simm.s32 $_tile_overlayer_lowered  }
0x9d: {  	s23 =	simm.s32 $0x1BFF;
	s22 =	sshll.u32 s8, $0x1;
	s5 =	sadd.s32 s6, s20  }
0x9e: {  	s9 =	simm.s32 $0x0;
	s21 =	sshll.u32 s7, $0x1;
	s7 =	sadd.s32 s22, s5  }
0x9f: {  	[timem:s9], [sflag:s23] =	dma.local [hbm:s7], s21  }
0xa0: {  	_ =	swait.ge [sflag:s23], s21  }
0xa1: {  	s6 =	ssub.s32 $0x0, s21;
	[sflag:s23] =	ssyncset.done $0x0  }
0xa2: {  	[sflag:s23] =	ssyncadd.s32 s6;
	_ =	sdelay $0x1  }
0xa3: {  	s24 =	simm.s32 $0x1B8B  }
0xa4: {  	_ =	swait.ge [sflag:s24], $0x1  }
0xa5: {  	[sflag:s24] =	ssyncset.done $0x0  }
0xa6: {  	s25 =	simm.s32 $0x1B8E;
	[sflag:s24] =	ssyncadd.s32 $0xFFFFFFFF  }
0xa7: {  	s26 =	simm.s32 $execute0_lowered;
	[smem:$0x3FD2] =	sst s25  }
0xa8: {  	s6 =	sshll.u32 s26, $0x1;
	_ =	strace $0x80000046;
	[dreg:$0x1] =	wrdreg $0xFFFFFFFF  }
0xa9: {  	s28 =	simm.s32 $_size_execute0_lowered;
	s5 =	sadd.s32 s5, s6;
	[dreg:$0x0] =	wrdreg $0x0  }
0xaa: {  	s6 =	sshll.u32 s28, $0x1;
	[dreg:$0x2] =	wrdreg s5  }
0xab: {  	[dreg:$0x3] =	wrdreg s6  }
0xac: {  	[dreg:$0x4] =	wrdreg $0xC0  }
0xad: {  	_ =	task [dreg:s9], $0x5FFFF  }
0xae: {  	[dreg:$0x1] =	wrdreg $0xFFFFFFFF  }
0xaf: {  	[dreg:$0x0] =	wrdreg $0x60  }
0xb0: {  	[dreg:$0x2] =	wrdreg s2  }
0xb1: {  	[dreg:$0x3] =	wrdreg s19  }
0xb2: {  	[dreg:$0x4] =	wrdreg s4  }
0xb3: {  	[dreg:$0x5] =	wrdreg $0x9  }
0xb4: {  	_ =	task.clear_ibuf [dreg:s9], $0x6FFFF;
	_ =	strace $0x90000046  }
0xb5: {  	s29 =	simm.s32 $0x9;
	_ =	strace $0x80000048  }
0xb6: {  	_ =	swait.ge [sflag:s29], $0x1  }
0xb7: {  	[sflag:s29] =	ssyncadd.s32 $0xFFFFFFFF  }
0xb8: {  	_ =	strace $0x90000048  }
0xb9: {  	_ =	sfence  }
0xba: {  	s30 =	sld [smem:$0x0];
	_ =	sdelay $0x2  }
0xbb: {  	s31 =	sshll.u32 s1, $0xD;
	s1 =	sshrl.u32 s1, $0x2  }
0xbc: {  	s3 =	sand.u32 $0x4000, s31;
	s1 =	sadd.s32 s1, s30  }
0xbd: {  	s0 =	sor.u32 s3, s0;
	s1 =	sshll.u32 s1, $0x11  }
0xbe: {  	s0 =	sor.u32 s1, s0  }
0xbf: {  	s0 =	sadd.s32 $0x8F2B, s0  }
0xc0: {  	[sflag:s0] =	ssyncadd.remote.s32 $0x1  }
0xc1: {  	_ =	sfence.sel $0xFFFF  }
0xc2: {  	[dreg:$0x0] =	wrdreg $0xFFFFFFFF;
	(pc) =	sbr.abs _section_cstart, $3  }
0xc3: {  	[dreg:$0x1] =	wrdreg $0xFFFFFFFF  }
0xc4: {  	_ =	task.clear_ibuf [dreg:s9], $0x2FFFF;
	_ =	strace $0x9FFFFFFF  }
0xc5: {  	(tm) =	ssettm $0x7FFFFFFF  }
tec
execute0_lowered:
.L_overlay_start_1:
0x0: {  	(tag) =	ssettag $0x1  }
0x1: {  	s0 =	rddreg [dreg:$0x0];
	s1 =	srdreg.scid  }
0x2: {  	s2 =	stileid.u32;
	s4 =	rddreg [dreg:$0x2];
	s5 =	simm.s32 $0x0  }
0x3: {  	s28 =	simm.s32 $0x9000;
	s29 =	simm.s32 $0x2;
	s30 =	simm.s32 $0x6  }
0x4: {  	s31 =	simm.s32 $0xB000;
	s7 =	simm.s32 $0x8;
	s8 =	simm.s32 $0xF000  }
0x5: {  	s1 =	sand.u32 $0x1, s1;
	s2 =	sshll.u32 s2, $0x9;
	[smem:$0x7FF] =	sst s5  }
0x6: {  	s12 =	sadd.s32 $0x20, s4;
	s14 =	sadd.s32 $0x40, s4;
	s3 =	sshll.u32 s1, $0x8  }
0x7: {  	s15 =	smov.u32 s4;
	s1 =	ssub.s32 $0x2, s1;
	s2 =	sor.u32 s3, s2  }
0x8: {  	s16 =	sadd.s32 $0x60, s4;
	s19 =	sshrl.u32 s1, $0x1;
	s5 =	sshll.u32 s2, $0x9  }
0x9: {  	s4 =	simm.s32 $0x4;
	s20 =	ssub.s32 s1, s19;
	s6 =	sadd.s32 s0, s5  }
0xa: {  	_ =	strace $0x80000047;
	s0 =	smax.u32 s20, $0x1;
	[dreg:$0x4] =	wrdreg s6  }
0xb: {  	s10 =	sshrl.u32 s2, $0x3;
	s21 =	sadd.s32 $0x20, s6;
	[dreg:$0xb] =	wrdreg s0  }
0xc: {  	s1 =	simm.s32 $0x3;
	s22 =	sadd.s32 $0x40, s6;
	[dreg:$0x5] =	wrdreg s21  }
0xd: {  	s2 =	simm.s32 $0xD000;
	s23 =	sadd.s32 $0x60, s6;
	[dreg:$0x6] =	wrdreg s22  }
0xe: {  	s20 =	simm.s32 $0x100;
	s24 =	sadd.s32 $0x1000, s6;
	[dreg:$0x7] =	wrdreg s23  }
.Ltmp0:
0xf: {  	s25 =	sadd.s32 $0x1020, s6;
	[dreg:$0x8] =	wrdreg s24;
	(pc) =	sbr.rel .LBB2_1-.Ltmp0, $4  }
0x10: {  	s26 =	sadd.s32 $0x1040, s6;
	s17 =	sadd.s32 $0x1060, s6;
	[dreg:$0x9] =	wrdreg s25  }
0x11: {  	s0 =	simm.s32 $0x7;
	s6 =	simm.s32 $0x0;
	[dreg:$0xa] =	wrdreg s26  }
0x12: {  	s21 =	simm.s32 $0x400;
	s22 =	simm.s32 $0x1000;
	s23 =	simm.s32 $0x3000  }
0x13: {  	s24 =	simm.s32 $0x5000;
	s25 =	simm.s32 $0x7000;
	s26 =	simm.s32 $0x1  }
.LBB2_24:
0x14: {  	s3 =	simm.s32 $0x5  }
0x15: {  	_ =	swait.ge [sflag:s3], $0x2000  }
0x16: {  	[sflag:s3] =	ssyncset.done $0x0  }
0x17: {  	[sflag:s3] =	ssyncadd.s32 $0xFFFFE000  }
0x18: {  	_ =	swait.ge [sflag:s30], $0x2000  }
0x19: {  	[sflag:s30] =	ssyncset.done $0x0  }
0x1a: {  	[sflag:s30] =	ssyncadd.s32 $0xFFFFE000  }
0x1b: {  	_ =	swait.ge [sflag:s0], $0x2000  }
0x1c: {  	[sflag:s0] =	ssyncset.done $0x0  }
0x1d: {  	[sflag:s0] =	ssyncadd.s32 $0xFFFFE000  }
0x1e: {  	_ =	swait.ge [sflag:s7], $0x2000  }
0x1f: {  	s6 =	rddreg [dreg:$0xc]  }
0x20: {  	s19 =	rddreg [dreg:$0xb];
	s6 =	sadd.s32 $0x1, s6  }
0x21: {  	p0 =	sne.s32 s6, s19  }
.Ltmp1:
0x22: {  	_ = 	snop;
	(pc) =	sbr.rel @!p0 .LBB2_25-.Ltmp1, $3  }
0x23: {  	_ =	sdelay $0x1  }
0x24: {  	[sflag:s7] =	ssyncset.done $0x0  }
0x25: {  	[sflag:s7] =	ssyncadd.s32 $0xFFFFE000  }
.LBB2_1:
0x26: {  	[dreg:$0xc] =	wrdreg s6  }
0x27: {  	s3 =	rddreg [dreg:$0x1];
	s19 =	simm.s32 $0x0;
	s9 =	simm.s32 $0x9  }
0x28: {  	[tilespmem:s19], [sflag:$0x9] =	stream.linear.gather [hbm4b:s3+s19], $0x1000, $0x38;
	[tilespmem:$0x11000] =	vst v63  }
0x29: {  	_ =	swait.ge [sflag:s9], $0x1000  }
0x2a: {  	[sflag:s9] =	ssyncset.done $0x0  }
0x2b: {  	s11 =	rddreg [dreg:$0x4];
	[sflag:s9] =	ssyncadd.s32 $0xFFFFF000  }
0x2c: {  	[tilespmem:s22], [sflag:$0x1] =	stream.strided.gather [hbm4b:s11+s20], $0x2000, s21, s20, $0x38;
	[tilespmem:$0x11000] =	vst v63  }
0x2d: {  	s13 =	rddreg [dreg:$0x5]  }
0x2e: {  	[tilespmem:s23], [sflag:$0x2] =	stream.strided.gather [hbm4b:s13+s20], $0x2000, s21, s20, $0x38;
	[tilespmem:$0x11000] =	vst v63  }
0x2f: {  	s18 =	rddreg [dreg:$0x6]  }
0x30: {  	[tilespmem:s24], [sflag:$0x3] =	stream.strided.gather [hbm4b:s18+s20], $0x2000, s21, s20, $0x38;
	[tilespmem:$0x11000] =	vst v63  }
0x31: {  	s6 =	simm.s32 $0x0;
	s19 =	rddreg [dreg:$0x7]  }
0x32: {  	[tilespmem:s25], [sflag:$0x4] =	stream.strided.gather [hbm4b:s19+s20], $0x2000, s21, s20, $0x38;
	[tilespmem:$0x11000] =	vst v63  }
.LBB2_2:
0x33: {  	_ =	swait.ge [sflag:s26], $0x2000  }
0x34: {  	p0 =	seq.s32 s6, $0x0;
	[sflag:s26] =	ssyncset.done $0x0  }
0x35: {  	s3 =	simm.s32 @!p0 $0x5;
	[sflag:s26] =	ssyncadd.s32 $0xFFFFE000  }
0x36: {  	_ =	swait.ge @!p0 [sflag:s3], $0x2000  }
0x37: {  	[sflag:s3] =	ssyncset.done @!p0 $0x0  }
0x38: {  	s19 =	simm.s32 $0x40;
	[sflag:s3] =	ssyncadd.s32 @!p0 $0xFFFFE000  }
0x39: {  	v0 =	vld [tilespmem:s19+$0xFFFFFFC0]  }
0x3a: {  	v1 =	vld [tilespmem:s19+$0x30];
	_ =	sdelay $0x3  }
0x3b: {  	v4 =	vld [tilespmem:s19+$0x20];
	v2 =	vshll.u32 v0, $0x1  }
0x3c: {  	v5 =	vld [tilespmem:s19+$0xFFFFFFE0];
	v3 =	vshll.u32 v1, $0x1;
	v0 =	vand.u32 $0x7F, v0;
	v2 =	vand.u32 $0xFFFFFF00, v2  }
0x3d: {  	v1 =	vand.u32 $0x7F, v1;
	v3 =	vand.u32 $0xFFFFFF00, v3;
	v0 =	vor.u32 v0, v2  }
0x3e: {  	v6 =	vld [tilespmem:s19+$0x0];
	v1 =	vor.u32 v1, v3  }
0x3f: {  	v3 =	vld [tilespmem:s19+$0x10]  }
0x40: {  	v7 =	vshll.u32 v4, $0x1;
	v2 =	vld [tilespmem:s19+$0xFFFFFFF0]  }
0x41: {  	v8 =	vld [tilespmem:s19+$0xFFFFFFD0];
	v4 =	vand.u32 $0x7F, v4;
	v14 =	vshll.u32 v5, $0x1;
	v7 =	vand.u32 $0xFFFFFF00, v7  }
0x42: {  	v5 =	vand.u32 $0x7F, v5;
	v14 =	vand.u32 $0xFFFFFF00, v14;
	v4 =	vor.u32 v4, v7;
	v9 =	vld.idx.msk [tilespmem:v0+s22+$0x0], $0xffff  }
0x43: {  	s18 =	simm.s32 $0xC0;
	v5 =	vor.u32 v5, v14;
	v10 =	vor.u32 $0x80, v0;
	v7 =	vld.idx.msk [tilespmem:v1+s22+$0x0], $0xffff  }
0x44: {  	v15 =	vld [tilespmem:s18+$0x30];
	v12 =	vor.u32 $0x80, v1;
	v11 =	vshll.u32 v3, $0x1;
	v3 =	vand.u32 $0x7F, v3  }
0x45: {  	v16 =	vld [tilespmem:s18+$0xFFFFFFC0];
	v13 =	vand.u32 $0x7F, v2;
	v2 =	vshll.u32 v2, $0x1;
	v11 =	vand.u32 $0xFFFFFF00, v11  }
0x46: {  	s9 =	simm.s32 $0x9080;
	v18 =	vld [tilespmem:s18+$0x20];
	v2 =	vand.u32 $0xFFFFFF00, v2;
	v3 =	vor.u32 v3, v11;
	v11 =	vshll.u32 v6, $0x1  }
0x47: {  	v6 =	vand.u32 $0x7F, v6;
	v13 =	vor.u32 v13, v2;
	v2 =	vand.u32 $0xFFFFFF00, v11;
	[tilespmem:s9+$0xFFFFFF80] =	vst v9;
	v9 =	vld.idx.msk [tilespmem:v4+s22+$0x0], $0xffff  }
0x48: {  	v6 =	vor.u32 v6, v2;
	[tilespmem:s9+$0xFFFFFFF0] =	vst v7;
	v7 =	vshll.u32 v8, $0x1;
	v10 =	vld.idx.msk [tilespmem:v10+s22+$0x0], $0xffff  }
0x49: {  	v4 =	vor.u32 $0x80, v4;
	v8 =	vand.u32 $0x7F, v8;
	v11 =	vld.idx.msk [tilespmem:v12+s22+$0x0], $0xffff;
	v7 =	vand.u32 $0xFFFFFF00, v7  }
0x4a: {  	v12 =	vld.idx.msk [tilespmem:v5+s22+$0x0], $0xffff;
	v7 =	vor.u32 v8, v7  }
0x4b: {  	v8 =	vld.idx.msk [tilespmem:v3+s22+$0x0], $0xffff  }
0x4c: {  	v14 =	vld.idx.msk [tilespmem:v13+s22+$0x0], $0xffff;
	v3 =	vor.u32 $0x80, v3  }
0x4d: {  	v5 =	vor.u32 $0x80, v5;
	v17 =	vld.idx.msk [tilespmem:v6+s22+$0x0], $0xffff;
	[tilespmem:s9+$0xFFFFFFE0] =	vst v9  }
0x4e: {  	v9 =	vor.u32 $0x80, v13;
	v13 =	vld.idx.msk [tilespmem:v4+s22+$0x0], $0xffff  }
0x4f: {  	v6 =	vor.u32 $0x80, v6;
	[tilespmem:s9+$0x0] =	vst v10;
	v4 =	vld.idx.msk [tilespmem:v7+s22+$0x0], $0xffff  }
0x50: {  	v0 =	vld [tilespmem:s18+$0xFFFFFFE0];
	[tilespmem:s9+$0xFFFFFFD0] =	vst v8  }
0x51: {  	[tilespmem:s9+$0xFFFFFFA0] =	vst v12;
	v19 =	vld.idx.msk [tilespmem:v3+s22+$0x0], $0xffff  }
0x52: {  	[tilespmem:s9+$0x70] =	vst v11;
	v10 =	vshll.u32 v16, $0x1;
	v3 =	vld.idx.msk [tilespmem:v5+s22+$0x0], $0xffff;
	v5 =	vshll.u32 v15, $0x1  }
0x53: {  	v2 =	vld [tilespmem:s18+$0x10];
	v11 =	vand.u32 $0x7F, v15;
	v7 =	vor.u32 $0x80, v7;
	[tilespmem:s9+$0xFFFFFFC0] =	vst v17;
	v5 =	vand.u32 $0xFFFFFF00, v5  }
0x54: {  	v10 =	vand.u32 $0xFFFFFF00, v10;
	[tilespmem:s9+$0xFFFFFF90] =	vst v4;
	v4 =	vld.idx.msk [tilespmem:v6+s22+$0x0], $0xffff;
	v6 =	vor.u32 v11, v5;
	v11 =	vand.u32 $0x7F, v16  }
0x55: {  	[tilespmem:s9+$0xFFFFFFB0] =	vst v14;
	v8 =	vld [tilespmem:s18+$0x0];
	v10 =	vor.u32 v11, v10  }
0x56: {  	v9 =	vld.idx.msk [tilespmem:v9+s22+$0x0], $0xffff  }
0x57: {  	v1 =	vld [tilespmem:s18+$0xFFFFFFF0]  }
0x58: {  	s13 =	simm.s32 $0x80;
	v12 =	vshll.u32 v18, $0x1;
	[tilespmem:s9+$0x60] =	vst v13;
	v5 =	vld.idx.msk [tilespmem:v7+s22+$0x0], $0xffff  }
0x59: {  	s11 =	simm.s32 $0x9080;
	s3 =	sadd.s32 s10, s6;
	s19 =	sshll.u32 s6, $0xC;
	v11 =	vand.u32 $0xFFFFFF00, v12;
	v7 =	vld [tilespmem:s18+$0xFFFFFFD0];
	v12 =	vand.u32 $0x7F, v18;
	[tilespmem:s9+$0x50] =	vst v19  }
.LBB2_3:
0x5a: {  	s13 =	sadd.s32 $0x80, s13;
	v13 =	vld.idx.msk [tilespmem:v10+s22+$0x0], $0xffff;
	v10 =	vor.u32 $0x80, v10;
	v14 =	vshll.u32 v2, $0x1;
	v15 =	vor.u32 $0x80, v6;
	s9 =	sadd.s32 $0x100, s9  }
0x5b: {  	v2 =	vand.u32 $0x7F, v2;
	v11 =	vor.u32 v12, v11;
	s18 =	sadd.s32 $0x80, s18;
	p1 =	slt.u32 s13, $0xF80;
	v16 =	vand.u32 $0x7F, v8;
	v6 =	vld.idx.msk [tilespmem:v6+s22+$0x0], $0xffff;
	[tilespmem:s11+$0x30] =	vst v9  }
0x5c: {  	v12 =	vand.u32 $0x7F, v1;
	v17 =	vshll.u32 v1, $0x1;
	v18 =	vor.u32 $0x80, v11;
	v9 =	vld [tilespmem:s18+$0xFFFFFFE0];
	[tilespmem:s11+$0x20] =	vst v3  }
0x5d: {  	v17 =	vand.u32 $0xFFFFFF00, v17;
	v8 =	vshll.u32 v8, $0x1;
	v3 =	vshll.u32 v0, $0x1;
	v1 =	vld [tilespmem:s18+$0xFFFFFFF0];
	[tilespmem:s11+$0x40] =	vst v4  }
0x5e: {  	v14 =	vand.u32 $0xFFFFFF00, v14;
	v3 =	vand.u32 $0xFFFFFF00, v3;
	v4 =	vld [tilespmem:s18+$0x30];
	v19 =	vand.u32 $0x7F, v7;
	[tilespmem:s11+$0x10] =	vst v5;
	s11 =	smov.u32 s9  }
0x5f: {  	v20 =	vand.u32 $0x7F, v0;
	v12 =	vor.u32 v12, v17;
	v14 =	vor.u32 v2, v14;
	v5 =	vld [tilespmem:s18+$0xFFFFFFC0]  }
0x60: {  	v2 =	vshll.u32 v7, $0x1;
	v3 =	vor.u32 v20, v3;
	[tilespmem:s9+$0xFFFFFF80] =	vst v13;
	v13 =	vand.u32 $0xFFFFFF00, v8;
	v7 =	vld.idx.msk [tilespmem:v11+s22+$0x0], $0xffff  }
0x61: {  	v2 =	vand.u32 $0xFFFFFF00, v2;
	v8 =	vld.idx.msk [tilespmem:v10+s22+$0x0], $0xffff;
	v10 =	vor.u32 v16, v13;
	[tilespmem:s9+$0xFFFFFFF0] =	vst v6;
	v0 =	vmov v9  }
0x62: {  	v9 =	vor.u32 v19, v2;
	v11 =	vld.idx.msk [tilespmem:v15+s22+$0x0], $0xffff  }
0x63: {  	v2 =	vld [tilespmem:s18+$0x10];
	v6 =	vand.u32 $0x7F, v4;
	v4 =	vshll.u32 v4, $0x1  }
0x64: {  	v13 =	vshll.u32 v5, $0x1;
	v4 =	vand.u32 $0xFFFFFF00, v4;
	v15 =	vld.idx.msk [tilespmem:v14+s22+$0x0], $0xffff  }
0x65: {  	v13 =	vand.u32 $0xFFFFFF00, v13;
	v6 =	vor.u32 v6, v4;
	v4 =	vld.idx.msk [tilespmem:v3+s22+$0x0], $0xffff  }
0x66: {  	v14 =	vor.u32 $0x80, v14;
	v16 =	vld.idx.msk [tilespmem:v12+s22+$0x0], $0xffff;
	[tilespmem:s9+$0xFFFFFFE0] =	vst v7  }
0x67: {  	v3 =	vor.u32 $0x80, v3;
	[tilespmem:s9+$0x0] =	vst v8;
	v7 =	vld.idx.msk [tilespmem:v10+s22+$0x0], $0xffff  }
0x68: {  	v8 =	vor.u32 $0x80, v12;
	v12 =	vld.idx.msk [tilespmem:v18+s22+$0x0], $0xffff;
	[tilespmem:s9+$0x70] =	vst v11  }
0x69: {  	v11 =	vld.idx.msk [tilespmem:v9+s22+$0x0], $0xffff  }
0x6a: {  	v19 =	vor.u32 $0x80, v10;
	v18 =	vor.u32 $0x80, v9;
	v17 =	vld [tilespmem:s18+$0x20];
	[tilespmem:s9+$0xFFFFFFD0] =	vst v15  }
0x6b: {  	[tilespmem:s9+$0xFFFFFFA0] =	vst v4;
	v14 =	vld.idx.msk [tilespmem:v14+s22+$0x0], $0xffff  }
0x6c: {  	v4 =	vand.u32 $0x7F, v5;
	v3 =	vld.idx.msk [tilespmem:v3+s22+$0x0], $0xffff;
	[tilespmem:s9+$0xFFFFFFB0] =	vst v16  }
.Ltmp2:
0x6d: {  	v10 =	vor.u32 v4, v13;
	v9 =	vld.idx.msk [tilespmem:v8+s22+$0x0], $0xffff;
	[tilespmem:s9+$0xFFFFFFC0] =	vst v7;
	(pc) =	sbr.rel @p1 .LBB2_3-.Ltmp2, $4  }
0x6e: {  	v8 =	vld [tilespmem:s18+$0x0];
	[tilespmem:s9+$0x60] =	vst v12  }
0x6f: {  	v5 =	vshll.u32 v17, $0x1;
	[tilespmem:s9+$0xFFFFFF90] =	vst v11;
	v4 =	vld.idx.msk [tilespmem:v19+s22+$0x0], $0xffff  }
0x70: {  	v11 =	vand.u32 $0xFFFFFF00, v5;
	v5 =	vld.idx.msk [tilespmem:v18+s22+$0x0], $0xffff  }
0x71: {  	v12 =	vand.u32 $0x7F, v17;
	v7 =	vld [tilespmem:s18+$0xFFFFFFD0];
	[tilespmem:s9+$0x50] =	vst v14  }
0x72: {  	_ =	sdelay $0x2  }
0x73: {  	v13 =	vor.u32 $0x80, v10  }
0x74: {  	v44 =	vld.idx.msk [tilespmem:v10+s22+$0x0], $0xffff;
	v14 =	vshll.u32 v2, $0x1;
	v15 =	vor.u32 $0x80, v6;
	v11 =	vor.u32 v12, v11  }
0x75: {  	v46 =	vand.u32 $0x7F, v2;
	v47 =	vld.idx.msk [tilespmem:v6+s22+$0x0], $0xffff;
	v16 =	vand.u32 $0x7F, v1;
	v48 =	vshll.u32 v1, $0x1  }
0x76: {  	v49 =	vshll.u32 v0, $0x1;
	v52 =	vand.u32 $0x7F, v0;
	v14 =	vand.u32 $0xFFFFFF00, v14  }
0x77: {  	v45 =	vand.u32 $0x7F, v8;
	v1 =	vand.u32 $0xFFFFFF00, v48;
	v2 =	vor.u32 v46, v14  }
0x78: {  	s9 =	sadd.s32 $0x100, s9;
	[tilespmem:s11+$0x30] =	vst v9;
	v50 =	vshll.u32 v8, $0x1;
	v51 =	vand.u32 $0xFFFFFF00, v49;
	v1 =	vor.u32 v16, v1  }
0x79: {  	v0 =	vor.u32 v52, v51;
	v8 =	vand.u32 $0xFFFFFF00, v50;
	v53 =	vshll.u32 v7, $0x1;
	[tilespmem:s9+$0xFFFFFF80] =	vst v44;
	v54 =	vld.idx.msk [tilespmem:v11+s22+$0x0], $0xffff  }
0x7a: {  	v8 =	vor.u32 v45, v8;
	v55 =	vand.u32 $0x7F, v7;
	v10 =	vand.u32 $0xFFFFFF00, v53;
	[tilespmem:s9+$0xFFFFFFF0] =	vst v47;
	v13 =	vld.idx.msk [tilespmem:v13+s22+$0x0], $0xffff  }
0x7b: {  	[tilespmem:s11+$0x20] =	vst v3;
	v56 =	vor.u32 v55, v10;
	v6 =	vld.idx.msk [tilespmem:v15+s22+$0x0], $0xffff  }
0x7c: {  	v57 =	vor.u32 $0x80, v11;
	[tilespmem:s11+$0x40] =	vst v4;
	v58 =	vld.idx.msk [tilespmem:v2+s22+$0x0], $0xffff  }
0x7d: {  	[tilespmem:s11+$0x10] =	vst v5;
	v59 =	vld.idx.msk [tilespmem:v1+s22+$0x0], $0xffff;
	v2 =	vor.u32 $0x80, v2  }
0x7e: {  	v60 =	vld.idx.msk [tilespmem:v0+s22+$0x0], $0xffff;
	v1 =	vor.u32 $0x80, v1;
	[tilespmem:s9+$0xFFFFFFE0] =	vst v54  }
0x7f: {  	v0 =	vor.u32 $0x80, v0;
	v61 =	vld.idx.msk [tilespmem:v8+s22+$0x0], $0xffff;
	[tilespmem:s9+$0x0] =	vst v13  }
0x80: {  	v8 =	vor.u32 $0x80, v8;
	[tilespmem:s9+$0x70] =	vst v6;
	v62 =	vld.idx.msk [tilespmem:v56+s22+$0x0], $0xffff  }
0x81: {  	v3 =	vor.u32 $0x80, v56;
	v7 =	vld.idx.msk [tilespmem:v57+s22+$0x0], $0xffff;
	[tilespmem:s9+$0xFFFFFFD0] =	vst v58  }
0x82: {  	[tilespmem:s9+$0xFFFFFFB0] =	vst v59;
	v2 =	vld.idx.msk [tilespmem:v2+s22+$0x0], $0xffff  }
0x83: {  	[tilespmem:s9+$0xFFFFFFA0] =	vst v60;
	v1 =	vld.idx.msk [tilespmem:v1+s22+$0x0], $0xffff  }
0x84: {  	v0 =	vld.idx.msk [tilespmem:v0+s22+$0x0], $0xffff;
	[tilespmem:s9+$0xFFFFFFC0] =	vst v61  }
0x85: {  	v63 =	vld.idx.msk [tilespmem:v8+s22+$0x0], $0xffff;
	[tilespmem:s9+$0xFFFFFF90] =	vst v62  }
0x86: {  	[tilespmem:s9+$0x60] =	vst v7;
	v3 =	vld.idx.msk [tilespmem:v3+s22+$0x0], $0xffff  }
0x87: {  	p1 =	sne.s32 s6, $0x1F;
	[tilespmem:s9+$0x50] =	vst v2  }
.Ltmp3:
0x88: {  	[tilespmem:s9+$0x30] =	vst v1;
	(pc) =	sbr.rel @p1 .LBB2_6-.Ltmp3, $4  }
0x89: {  	[tilespmem:s9+$0x20] =	vst v0  }
0x8a: {  	s3 =	sshll.u32 s3, $0xC;
	[tilespmem:s9+$0x40] =	vst v63  }
0x8b: {  	s3 =	sadd.s32 s15, s3;
	[tilespmem:s9+$0x10] =	vst v3  }
0x8c: {  	[hbm4b:s3+s20] =	stream.strided.scatter [tilespmem:s28], [sflag:$0x5], $0x2000, s21, s20, $0x38;
	[tilespmem:$0x11000] =	vst v63  }
.Ltmp4:
0x8d: {  	(pc) =	sbr.rel .LBB2_7-.Ltmp4, $4  }
0x8e: {  	_ = 	snop  }
0x8f: {  	_ =	swait.ge [sflag:s29], $0x2000  }
0x90: {  	[sflag:s29] =	ssyncset.done $0x0  }
0x91: {  	[sflag:s29] =	ssyncadd.s32 $0xFFFFE000  }
.LBB2_6:
0x92: {  	s3 =	rddreg [dreg:$0x8]  }
.Ltmp5:
0x93: {  	s3 =	sadd.s32 s19, s3;
	(pc) =	sbr.rel @p0 .LBB2_8-.Ltmp5, $4  }
0x94: {  	[tilespmem:s22], [sflag:$0x1] =	stream.strided.gather [hbm4b:s3+s20], $0x2000, s21, s20, $0x38;
	[tilespmem:$0x11000] =	vst v63  }
0x95: {  	_ =	swait.ge [sflag:s29], $0x2000  }
0x96: {  	[sflag:s29] =	ssyncset.done $0x0  }
0x97: {  	[sflag:s29] =	ssyncadd.s32 $0xFFFFE000  }
.LBB2_7:
0x98: {  	_ =	swait.ge [sflag:s30], $0x2000  }
0x99: {  	[sflag:s30] =	ssyncset.done $0x0  }
0x9a: {  	[sflag:s30] =	ssyncadd.s32 $0xFFFFE000  }
.LBB2_8:
0x9b: {  	s3 =	simm.s32 $0x40  }
0x9c: {  	v0 =	vld [tilespmem:s3+$0xFFFFFFC0]  }
0x9d: {  	v1 =	vld [tilespmem:s3+$0x30];
	_ =	sdelay $0x3  }
0x9e: {  	v4 =	vld [tilespmem:s3+$0x20];
	v2 =	vshll.u32 v0, $0x1  }
0x9f: {  	v5 =	vld [tilespmem:s3+$0xFFFFFFE0];
	v3 =	vshll.u32 v1, $0x1;
	v0 =	vand.u32 $0x7F, v0;
	v2 =	vand.u32 $0xFFFFFF00, v2  }
0xa0: {  	v1 =	vand.u32 $0x7F, v1;
	v3 =	vand.u32 $0xFFFFFF00, v3;
	v0 =	vor.u32 v0, v2  }
0xa1: {  	v6 =	vld [tilespmem:s3+$0x0];
	v1 =	vor.u32 v1, v3  }
0xa2: {  	v3 =	vld [tilespmem:s3+$0x10]  }
0xa3: {  	v7 =	vshll.u32 v4, $0x1;
	v2 =	vld [tilespmem:s3+$0xFFFFFFF0]  }
0xa4: {  	v8 =	vld [tilespmem:s3+$0xFFFFFFD0];
	v4 =	vand.u32 $0x7F, v4;
	v14 =	vshll.u32 v5, $0x1;
	v7 =	vand.u32 $0xFFFFFF00, v7  }
0xa5: {  	v5 =	vand.u32 $0x7F, v5;
	v14 =	vand.u32 $0xFFFFFF00, v14;
	v4 =	vor.u32 v4, v7;
	v9 =	vld.idx.msk [tilespmem:v0+s23+$0x0], $0xffff  }
0xa6: {  	s18 =	simm.s32 $0xC0;
	v5 =	vor.u32 v5, v14;
	v10 =	vor.u32 $0x80, v0;
	v7 =	vld.idx.msk [tilespmem:v1+s23+$0x0], $0xffff  }
0xa7: {  	v15 =	vld [tilespmem:s18+$0x30];
	v12 =	vor.u32 $0x80, v1;
	v11 =	vshll.u32 v3, $0x1;
	v3 =	vand.u32 $0x7F, v3  }
0xa8: {  	v16 =	vld [tilespmem:s18+$0xFFFFFFC0];
	v13 =	vand.u32 $0x7F, v2;
	v2 =	vshll.u32 v2, $0x1;
	v11 =	vand.u32 $0xFFFFFF00, v11  }
0xa9: {  	s9 =	simm.s32 $0xB0F0;
	v18 =	vld [tilespmem:s18+$0x20];
	v2 =	vand.u32 $0xFFFFFF00, v2;
	v3 =	vor.u32 v3, v11;
	v11 =	vshll.u32 v6, $0x1  }
0xaa: {  	v6 =	vand.u32 $0x7F, v6;
	v13 =	vor.u32 v13, v2;
	v2 =	vand.u32 $0xFFFFFF00, v11;
	[tilespmem:s9+$0xFFFFFF10] =	vst v9;
	v9 =	vld.idx.msk [tilespmem:v4+s23+$0x0], $0xffff  }
0xab: {  	v6 =	vor.u32 v6, v2;
	[tilespmem:s9+$0xFFFFFF80] =	vst v7;
	v7 =	vshll.u32 v8, $0x1;
	v10 =	vld.idx.msk [tilespmem:v10+s23+$0x0], $0xffff  }
0xac: {  	v4 =	vor.u32 $0x80, v4;
	v8 =	vand.u32 $0x7F, v8;
	v11 =	vld.idx.msk [tilespmem:v12+s23+$0x0], $0xffff;
	v7 =	vand.u32 $0xFFFFFF00, v7  }
0xad: {  	v12 =	vld.idx.msk [tilespmem:v5+s23+$0x0], $0xffff;
	v7 =	vor.u32 v8, v7  }
0xae: {  	v8 =	vld.idx.msk [tilespmem:v3+s23+$0x0], $0xffff  }
0xaf: {  	v14 =	vld.idx.msk [tilespmem:v13+s23+$0x0], $0xffff;
	v3 =	vor.u32 $0x80, v3  }
0xb0: {  	v5 =	vor.u32 $0x80, v5;
	v17 =	vld.idx.msk [tilespmem:v6+s23+$0x0], $0xffff;
	[tilespmem:s9+$0xFFFFFF70] =	vst v9  }
0xb1: {  	v9 =	vor.u32 $0x80, v13;
	v13 =	vld.idx.msk [tilespmem:v4+s23+$0x0], $0xffff  }
0xb2: {  	v6 =	vor.u32 $0x80, v6;
	[tilespmem:s9+$0xFFFFFF90] =	vst v10;
	v4 =	vld.idx.msk [tilespmem:v7+s23+$0x0], $0xffff  }
0xb3: {  	v0 =	vld [tilespmem:s18+$0xFFFFFFE0];
	[tilespmem:s9+$0xFFFFFF60] =	vst v8  }
0xb4: {  	[tilespmem:s9+$0xFFFFFF30] =	vst v12;
	v19 =	vld.idx.msk [tilespmem:v3+s23+$0x0], $0xffff  }
0xb5: {  	[tilespmem:s9+$0x0] =	vst v11;
	v10 =	vshll.u32 v16, $0x1;
	v3 =	vld.idx.msk [tilespmem:v5+s23+$0x0], $0xffff;
	v5 =	vshll.u32 v15, $0x1  }
0xb6: {  	v2 =	vld [tilespmem:s18+$0x10];
	v11 =	vand.u32 $0x7F, v15;
	v7 =	vor.u32 $0x80, v7;
	[tilespmem:s9+$0xFFFFFF50] =	vst v17;
	v5 =	vand.u32 $0xFFFFFF00, v5  }
0xb7: {  	v10 =	vand.u32 $0xFFFFFF00, v10;
	[tilespmem:s9+$0xFFFFFF20] =	vst v4;
	v4 =	vld.idx.msk [tilespmem:v6+s23+$0x0], $0xffff;
	v6 =	vor.u32 v11, v5;
	v11 =	vand.u32 $0x7F, v16  }
0xb8: {  	[tilespmem:s9+$0xFFFFFF40] =	vst v14;
	v8 =	vld [tilespmem:s18+$0x0];
	v10 =	vor.u32 v11, v10  }
0xb9: {  	v9 =	vld.idx.msk [tilespmem:v9+s23+$0x0], $0xffff  }
0xba: {  	v1 =	vld [tilespmem:s18+$0xFFFFFFF0]  }
0xbb: {  	v12 =	vshll.u32 v18, $0x1;
	[tilespmem:s9+$0xFFFFFFF0] =	vst v13;
	v5 =	vld.idx.msk [tilespmem:v7+s23+$0x0], $0xffff  }
0xbc: {  	s11 =	simm.s32 $0x80;
	s3 =	simm.s32 $0xB0F0;
	v11 =	vand.u32 $0xFFFFFF00, v12;
	v7 =	vld [tilespmem:s18+$0xFFFFFFD0];
	v12 =	vand.u32 $0x7F, v18;
	[tilespmem:s9+$0xFFFFFFE0] =	vst v19  }
.LBB2_9:
0xbd: {  	s11 =	sadd.s32 $0x80, s11;
	v13 =	vld.idx.msk [tilespmem:v10+s23+$0x0], $0xffff;
	v10 =	vor.u32 $0x80, v10;
	v14 =	vshll.u32 v2, $0x1;
	v15 =	vor.u32 $0x80, v6;
	s9 =	sadd.s32 $0x100, s9  }
0xbe: {  	v2 =	vand.u32 $0x7F, v2;
	v11 =	vor.u32 v12, v11;
	s18 =	sadd.s32 $0x80, s18;
	p2 =	slt.u32 s11, $0xF80;
	v16 =	vand.u32 $0x7F, v8;
	v6 =	vld.idx.msk [tilespmem:v6+s23+$0x0], $0xffff;
	[tilespmem:s3+$0xFFFFFFC0] =	vst v9  }
0xbf: {  	v12 =	vand.u32 $0x7F, v1;
	v17 =	vshll.u32 v1, $0x1;
	v18 =	vor.u32 $0x80, v11;
	v9 =	vld [tilespmem:s18+$0xFFFFFFE0];
	[tilespmem:s3+$0xFFFFFFB0] =	vst v3  }
0xc0: {  	v17 =	vand.u32 $0xFFFFFF00, v17;
	v8 =	vshll.u32 v8, $0x1;
	v3 =	vshll.u32 v0, $0x1;
	v1 =	vld [tilespmem:s18+$0xFFFFFFF0];
	[tilespmem:s3+$0xFFFFFFD0] =	vst v4  }
0xc1: {  	v14 =	vand.u32 $0xFFFFFF00, v14;
	v3 =	vand.u32 $0xFFFFFF00, v3;
	v4 =	vld [tilespmem:s18+$0x30];
	v19 =	vand.u32 $0x7F, v7;
	[tilespmem:s3+$0xFFFFFFA0] =	vst v5;
	s3 =	smov.u32 s9  }
0xc2: {  	v20 =	vand.u32 $0x7F, v0;
	v12 =	vor.u32 v12, v17;
	v14 =	vor.u32 v2, v14;
	v5 =	vld [tilespmem:s18+$0xFFFFFFC0]  }
0xc3: {  	v2 =	vshll.u32 v7, $0x1;
	v3 =	vor.u32 v20, v3;
	[tilespmem:s9+$0xFFFFFF10] =	vst v13;
	v13 =	vand.u32 $0xFFFFFF00, v8;
	v7 =	vld.idx.msk [tilespmem:v11+s23+$0x0], $0xffff  }
0xc4: {  	v2 =	vand.u32 $0xFFFFFF00, v2;
	v8 =	vld.idx.msk [tilespmem:v10+s23+$0x0], $0xffff;
	v10 =	vor.u32 v16, v13;
	[tilespmem:s9+$0xFFFFFF80] =	vst v6;
	v0 =	vmov v9  }
0xc5: {  	v9 =	vor.u32 v19, v2;
	v11 =	vld.idx.msk [tilespmem:v15+s23+$0x0], $0xffff  }
0xc6: {  	v2 =	vld [tilespmem:s18+$0x10];
	v6 =	vand.u32 $0x7F, v4;
	v4 =	vshll.u32 v4, $0x1  }
0xc7: {  	v13 =	vshll.u32 v5, $0x1;
	v4 =	vand.u32 $0xFFFFFF00, v4;
	v15 =	vld.idx.msk [tilespmem:v14+s23+$0x0], $0xffff  }
0xc8: {  	v13 =	vand.u32 $0xFFFFFF00, v13;
	v6 =	vor.u32 v6, v4;
	v4 =	vld.idx.msk [tilespmem:v3+s23+$0x0], $0xffff  }
0xc9: {  	v14 =	vor.u32 $0x80, v14;
	v16 =	vld.idx.msk [tilespmem:v12+s23+$0x0], $0xffff;
	[tilespmem:s9+$0xFFFFFF70] =	vst v7  }
0xca: {  	v3 =	vor.u32 $0x80, v3;
	[tilespmem:s9+$0xFFFFFF90] =	vst v8;
	v7 =	vld.idx.msk [tilespmem:v10+s23+$0x0], $0xffff  }
0xcb: {  	v8 =	vor.u32 $0x80, v12;
	v12 =	vld.idx.msk [tilespmem:v18+s23+$0x0], $0xffff;
	[tilespmem:s9+$0x0] =	vst v11  }
0xcc: {  	v11 =	vld.idx.msk [tilespmem:v9+s23+$0x0], $0xffff  }
0xcd: {  	v19 =	vor.u32 $0x80, v10;
	v18 =	vor.u32 $0x80, v9;
	v17 =	vld [tilespmem:s18+$0x20];
	[tilespmem:s9+$0xFFFFFF60] =	vst v15  }
0xce: {  	[tilespmem:s9+$0xFFFFFF30] =	vst v4;
	v14 =	vld.idx.msk [tilespmem:v14+s23+$0x0], $0xffff  }
0xcf: {  	v4 =	vand.u32 $0x7F, v5;
	v3 =	vld.idx.msk [tilespmem:v3+s23+$0x0], $0xffff;
	[tilespmem:s9+$0xFFFFFF40] =	vst v16  }
.Ltmp6:
0xd0: {  	v10 =	vor.u32 v4, v13;
	v9 =	vld.idx.msk [tilespmem:v8+s23+$0x0], $0xffff;
	[tilespmem:s9+$0xFFFFFF50] =	vst v7;
	(pc) =	sbr.rel @p2 .LBB2_9-.Ltmp6, $4  }
0xd1: {  	v8 =	vld [tilespmem:s18+$0x0];
	[tilespmem:s9+$0xFFFFFFF0] =	vst v12  }
0xd2: {  	v5 =	vshll.u32 v17, $0x1;
	[tilespmem:s9+$0xFFFFFF20] =	vst v11;
	v4 =	vld.idx.msk [tilespmem:v19+s23+$0x0], $0xffff  }
0xd3: {  	v11 =	vand.u32 $0xFFFFFF00, v5;
	v5 =	vld.idx.msk [tilespmem:v18+s23+$0x0], $0xffff  }
0xd4: {  	v12 =	vand.u32 $0x7F, v17;
	v7 =	vld [tilespmem:s18+$0xFFFFFFD0];
	[tilespmem:s9+$0xFFFFFFE0] =	vst v14  }
0xd5: {  	_ =	sdelay $0x2  }
0xd6: {  	v13 =	vor.u32 $0x80, v10  }
0xd7: {  	v44 =	vld.idx.msk [tilespmem:v10+s23+$0x0], $0xffff;
	v14 =	vshll.u32 v2, $0x1;
	v15 =	vor.u32 $0x80, v6;
	v11 =	vor.u32 v12, v11  }
0xd8: {  	v46 =	vand.u32 $0x7F, v2;
	v47 =	vld.idx.msk [tilespmem:v6+s23+$0x0], $0xffff;
	v16 =	vand.u32 $0x7F, v1;
	v48 =	vshll.u32 v1, $0x1  }
0xd9: {  	v49 =	vshll.u32 v0, $0x1;
	v52 =	vand.u32 $0x7F, v0;
	v14 =	vand.u32 $0xFFFFFF00, v14  }
0xda: {  	v45 =	vand.u32 $0x7F, v8;
	v1 =	vand.u32 $0xFFFFFF00, v48;
	v2 =	vor.u32 v46, v14  }
0xdb: {  	s11 =	sadd.s32 $0x100, s9;
	[tilespmem:s3+$0xFFFFFFC0] =	vst v9;
	v50 =	vshll.u32 v8, $0x1;
	v51 =	vand.u32 $0xFFFFFF00, v49;
	v1 =	vor.u32 v16, v1  }
0xdc: {  	v0 =	vor.u32 v52, v51;
	v8 =	vand.u32 $0xFFFFFF00, v50;
	v53 =	vshll.u32 v7, $0x1;
	[tilespmem:s11+$0xFFFFFF10] =	vst v44;
	v54 =	vld.idx.msk [tilespmem:v11+s23+$0x0], $0xffff  }
0xdd: {  	v8 =	vor.u32 v45, v8;
	v55 =	vand.u32 $0x7F, v7;
	v10 =	vand.u32 $0xFFFFFF00, v53;
	[tilespmem:s11+$0xFFFFFF80] =	vst v47;
	v13 =	vld.idx.msk [tilespmem:v13+s23+$0x0], $0xffff  }
0xde: {  	[tilespmem:s3+$0xFFFFFFB0] =	vst v3;
	v56 =	vor.u32 v55, v10;
	v6 =	vld.idx.msk [tilespmem:v15+s23+$0x0], $0xffff  }
0xdf: {  	v57 =	vor.u32 $0x80, v11;
	[tilespmem:s3+$0xFFFFFFD0] =	vst v4;
	v58 =	vld.idx.msk [tilespmem:v2+s23+$0x0], $0xffff  }
0xe0: {  	[tilespmem:s3+$0xFFFFFFA0] =	vst v5;
	v59 =	vld.idx.msk [tilespmem:v1+s23+$0x0], $0xffff;
	v2 =	vor.u32 $0x80, v2  }
0xe1: {  	v60 =	vld.idx.msk [tilespmem:v0+s23+$0x0], $0xffff;
	v1 =	vor.u32 $0x80, v1;
	[tilespmem:s11+$0xFFFFFF70] =	vst v54  }
0xe2: {  	v0 =	vor.u32 $0x80, v0;
	v61 =	vld.idx.msk [tilespmem:v8+s23+$0x0], $0xffff;
	[tilespmem:s11+$0xFFFFFF90] =	vst v13  }
0xe3: {  	v8 =	vor.u32 $0x80, v8;
	[tilespmem:s11+$0x0] =	vst v6;
	v62 =	vld.idx.msk [tilespmem:v56+s23+$0x0], $0xffff  }
0xe4: {  	v3 =	vor.u32 $0x80, v56;
	v7 =	vld.idx.msk [tilespmem:v57+s23+$0x0], $0xffff;
	[tilespmem:s11+$0xFFFFFF60] =	vst v58  }
0xe5: {  	[tilespmem:s11+$0xFFFFFF40] =	vst v59;
	v2 =	vld.idx.msk [tilespmem:v2+s23+$0x0], $0xffff  }
0xe6: {  	[tilespmem:s11+$0xFFFFFF30] =	vst v60;
	v1 =	vld.idx.msk [tilespmem:v1+s23+$0x0], $0xffff  }
0xe7: {  	v0 =	vld.idx.msk [tilespmem:v0+s23+$0x0], $0xffff;
	[tilespmem:s11+$0xFFFFFF50] =	vst v61  }
0xe8: {  	v63 =	vld.idx.msk [tilespmem:v8+s23+$0x0], $0xffff;
	[tilespmem:s11+$0xFFFFFF20] =	vst v62  }
0xe9: {  	[tilespmem:s11+$0xFFFFFFF0] =	vst v7;
	v3 =	vld.idx.msk [tilespmem:v3+s23+$0x0], $0xffff  }
0xea: {  	[tilespmem:s11+$0xFFFFFFE0] =	vst v2  }
.Ltmp7:
0xeb: {  	[tilespmem:s11+$0xFFFFFFC0] =	vst v1;
	(pc) =	sbr.rel @p1 .LBB2_12-.Ltmp7, $4  }
0xec: {  	[tilespmem:s11+$0xFFFFFFB0] =	vst v0  }
0xed: {  	s9 =	sor.u32 s5, s19;
	[tilespmem:s11+$0xFFFFFFD0] =	vst v63  }
0xee: {  	s18 =	sadd.s32 s9, s12;
	[tilespmem:s11+$0xFFFFFFA0] =	vst v3  }
0xef: {  	[hbm4b:s18+s20] =	stream.strided.scatter [tilespmem:s31], [sflag:$0x6], $0x2000, s21, s20, $0x38;
	[tilespmem:$0x11000] =	vst v63  }
.Ltmp8:
0xf0: {  	(pc) =	sbr.rel .LBB2_13-.Ltmp8, $4  }
0xf1: {  	_ = 	snop  }
0xf2: {  	_ =	swait.ge [sflag:s1], $0x2000  }
0xf3: {  	[sflag:s1] =	ssyncset.done $0x0  }
0xf4: {  	[sflag:s1] =	ssyncadd.s32 $0xFFFFE000  }
.LBB2_12:
0xf5: {  	s3 =	rddreg [dreg:$0x9]  }
.Ltmp9:
0xf6: {  	s3 =	sadd.s32 s19, s3;
	(pc) =	sbr.rel @p0 .LBB2_14-.Ltmp9, $4  }
0xf7: {  	[tilespmem:s23], [sflag:$0x2] =	stream.strided.gather [hbm4b:s3+s20], $0x2000, s21, s20, $0x38;
	[tilespmem:$0x11000] =	vst v63  }
0xf8: {  	_ =	swait.ge [sflag:s1], $0x2000  }
0xf9: {  	[sflag:s1] =	ssyncset.done $0x0  }
0xfa: {  	[sflag:s1] =	ssyncadd.s32 $0xFFFFE000  }
.LBB2_13:
0xfb: {  	_ =	swait.ge [sflag:s0], $0x2000  }
0xfc: {  	[sflag:s0] =	ssyncset.done $0x0  }
0xfd: {  	[sflag:s0] =	ssyncadd.s32 $0xFFFFE000  }
.LBB2_14:
0xfe: {  	s3 =	simm.s32 $0x40  }
0xff: {  	v0 =	vld [tilespmem:s3+$0xFFFFFFC0]  }
0x100: {  	v1 =	vld [tilespmem:s3+$0x30];
	_ =	sdelay $0x3  }
0x101: {  	v4 =	vld [tilespmem:s3+$0x20];
	v2 =	vshll.u32 v0, $0x1  }
0x102: {  	v5 =	vld [tilespmem:s3+$0xFFFFFFE0];
	v3 =	vshll.u32 v1, $0x1;
	v0 =	vand.u32 $0x7F, v0;
	v2 =	vand.u32 $0xFFFFFF00, v2  }
0x103: {  	v1 =	vand.u32 $0x7F, v1;
	v3 =	vand.u32 $0xFFFFFF00, v3;
	v0 =	vor.u32 v0, v2  }
0x104: {  	v6 =	vld [tilespmem:s3+$0x0];
	v1 =	vor.u32 v1, v3  }
0x105: {  	v3 =	vld [tilespmem:s3+$0x10]  }
0x106: {  	v7 =	vshll.u32 v4, $0x1;
	v2 =	vld [tilespmem:s3+$0xFFFFFFF0]  }
0x107: {  	v8 =	vld [tilespmem:s3+$0xFFFFFFD0];
	v4 =	vand.u32 $0x7F, v4;
	v14 =	vshll.u32 v5, $0x1;
	v7 =	vand.u32 $0xFFFFFF00, v7  }
0x108: {  	v5 =	vand.u32 $0x7F, v5;
	v14 =	vand.u32 $0xFFFFFF00, v14;
	v4 =	vor.u32 v4, v7;
	v9 =	vld.idx.msk [tilespmem:v0+s24+$0x0], $0xffff  }
0x109: {  	s3 =	simm.s32 $0xC0;
	v5 =	vor.u32 v5, v14;
	v10 =	vor.u32 $0x80, v0;
	v7 =	vld.idx.msk [tilespmem:v1+s24+$0x0], $0xffff  }
0x10a: {  	v12 =	vor.u32 $0x80, v1;
	v15 =	vld [tilespmem:s3+$0x30];
	v11 =	vshll.u32 v3, $0x1;
	v3 =	vand.u32 $0x7F, v3  }
0x10b: {  	v16 =	vld [tilespmem:s3+$0xFFFFFFC0];
	v13 =	vand.u32 $0x7F, v2;
	v2 =	vshll.u32 v2, $0x1;
	v11 =	vand.u32 $0xFFFFFF00, v11  }
0x10c: {  	s18 =	simm.s32 $0xD000;
	v18 =	vld [tilespmem:s3+$0x20];
	v2 =	vand.u32 $0xFFFFFF00, v2;
	v3 =	vor.u32 v3, v11;
	v11 =	vshll.u32 v6, $0x1  }
0x10d: {  	v6 =	vand.u32 $0x7F, v6;
	v13 =	vor.u32 v13, v2;
	v2 =	vand.u32 $0xFFFFFF00, v11;
	[tilespmem:s18+$0x0] =	vst v9;
	v9 =	vld.idx.msk [tilespmem:v4+s24+$0x0], $0xffff  }
0x10e: {  	v6 =	vor.u32 v6, v2;
	[tilespmem:s18+$0x70] =	vst v7;
	v7 =	vshll.u32 v8, $0x1;
	v10 =	vld.idx.msk [tilespmem:v10+s24+$0x0], $0xffff  }
0x10f: {  	v4 =	vor.u32 $0x80, v4;
	v8 =	vand.u32 $0x7F, v8;
	v11 =	vld.idx.msk [tilespmem:v12+s24+$0x0], $0xffff;
	v7 =	vand.u32 $0xFFFFFF00, v7  }
0x110: {  	v12 =	vld.idx.msk [tilespmem:v5+s24+$0x0], $0xffff;
	v7 =	vor.u32 v8, v7  }
0x111: {  	v8 =	vld.idx.msk [tilespmem:v3+s24+$0x0], $0xffff  }
0x112: {  	v14 =	vld.idx.msk [tilespmem:v13+s24+$0x0], $0xffff;
	v3 =	vor.u32 $0x80, v3  }
0x113: {  	v5 =	vor.u32 $0x80, v5;
	v17 =	vld.idx.msk [tilespmem:v6+s24+$0x0], $0xffff;
	[tilespmem:s18+$0x60] =	vst v9  }
0x114: {  	v9 =	vor.u32 $0x80, v13;
	v13 =	vld.idx.msk [tilespmem:v4+s24+$0x0], $0xffff  }
0x115: {  	v6 =	vor.u32 $0x80, v6;
	[tilespmem:s18+$0x80] =	vst v10;
	v4 =	vld.idx.msk [tilespmem:v7+s24+$0x0], $0xffff  }
0x116: {  	v0 =	vld [tilespmem:s3+$0xFFFFFFE0];
	[tilespmem:s18+$0x50] =	vst v8  }
0x117: {  	[tilespmem:s18+$0x20] =	vst v12;
	v19 =	vld.idx.msk [tilespmem:v3+s24+$0x0], $0xffff  }
0x118: {  	[tilespmem:s18+$0xF0] =	vst v11;
	v10 =	vshll.u32 v16, $0x1;
	v3 =	vld.idx.msk [tilespmem:v5+s24+$0x0], $0xffff;
	v5 =	vshll.u32 v15, $0x1  }
0x119: {  	v2 =	vld [tilespmem:s3+$0x10];
	v11 =	vand.u32 $0x7F, v15;
	v7 =	vor.u32 $0x80, v7;
	[tilespmem:s18+$0x40] =	vst v17;
	v5 =	vand.u32 $0xFFFFFF00, v5  }
0x11a: {  	v10 =	vand.u32 $0xFFFFFF00, v10;
	[tilespmem:s18+$0x10] =	vst v4;
	v4 =	vld.idx.msk [tilespmem:v6+s24+$0x0], $0xffff;
	v6 =	vor.u32 v11, v5;
	v11 =	vand.u32 $0x7F, v16  }
0x11b: {  	[tilespmem:s18+$0x30] =	vst v14;
	v8 =	vld [tilespmem:s3+$0x0];
	v10 =	vor.u32 v11, v10  }
0x11c: {  	v9 =	vld.idx.msk [tilespmem:v9+s24+$0x0], $0xffff  }
0x11d: {  	v1 =	vld [tilespmem:s3+$0xFFFFFFF0]  }
0x11e: {  	v12 =	vshll.u32 v18, $0x1;
	[tilespmem:s18+$0xE0] =	vst v13;
	v5 =	vld.idx.msk [tilespmem:v7+s24+$0x0], $0xffff  }
0x11f: {  	s13 =	simm.s32 $0x80;
	s11 =	simm.s32 $0xD000;
	v11 =	vand.u32 $0xFFFFFF00, v12;
	v7 =	vld [tilespmem:s3+$0xFFFFFFD0];
	v12 =	vand.u32 $0x7F, v18;
	[tilespmem:s18+$0xD0] =	vst v19  }
.LBB2_15:
0x120: {  	s13 =	sadd.s32 $0x80, s13;
	v13 =	vld.idx.msk [tilespmem:v10+s24+$0x0], $0xffff;
	v10 =	vor.u32 $0x80, v10;
	v14 =	vshll.u32 v2, $0x1;
	v15 =	vor.u32 $0x80, v6;
	s18 =	sadd.s32 $0x100, s18  }
0x121: {  	v2 =	vand.u32 $0x7F, v2;
	v11 =	vor.u32 v12, v11;
	s3 =	sadd.s32 $0x80, s3;
	p2 =	slt.u32 s13, $0xF80;
	v16 =	vand.u32 $0x7F, v8;
	v6 =	vld.idx.msk [tilespmem:v6+s24+$0x0], $0xffff;
	[tilespmem:s11+$0xB0] =	vst v9  }
0x122: {  	v12 =	vand.u32 $0x7F, v1;
	v17 =	vshll.u32 v1, $0x1;
	v18 =	vor.u32 $0x80, v11;
	v9 =	vld [tilespmem:s3+$0xFFFFFFE0];
	[tilespmem:s11+$0xA0] =	vst v3  }
0x123: {  	v17 =	vand.u32 $0xFFFFFF00, v17;
	v8 =	vshll.u32 v8, $0x1;
	v3 =	vshll.u32 v0, $0x1;
	v1 =	vld [tilespmem:s3+$0xFFFFFFF0];
	[tilespmem:s11+$0xC0] =	vst v4  }
0x124: {  	v14 =	vand.u32 $0xFFFFFF00, v14;
	v3 =	vand.u32 $0xFFFFFF00, v3;
	v4 =	vld [tilespmem:s3+$0x30];
	v19 =	vand.u32 $0x7F, v7;
	[tilespmem:s11+$0x90] =	vst v5;
	s11 =	smov.u32 s18  }
0x125: {  	v20 =	vand.u32 $0x7F, v0;
	v12 =	vor.u32 v12, v17;
	v14 =	vor.u32 v2, v14;
	v5 =	vld [tilespmem:s3+$0xFFFFFFC0]  }
0x126: {  	v2 =	vshll.u32 v7, $0x1;
	v3 =	vor.u32 v20, v3;
	[tilespmem:s18+$0x0] =	vst v13;
	v13 =	vand.u32 $0xFFFFFF00, v8;
	v7 =	vld.idx.msk [tilespmem:v11+s24+$0x0], $0xffff  }
0x127: {  	v2 =	vand.u32 $0xFFFFFF00, v2;
	v8 =	vld.idx.msk [tilespmem:v10+s24+$0x0], $0xffff;
	v10 =	vor.u32 v16, v13;
	[tilespmem:s18+$0x70] =	vst v6;
	v0 =	vmov v9  }
0x128: {  	v9 =	vor.u32 v19, v2;
	v11 =	vld.idx.msk [tilespmem:v15+s24+$0x0], $0xffff  }
0x129: {  	v2 =	vld [tilespmem:s3+$0x10];
	v6 =	vand.u32 $0x7F, v4;
	v4 =	vshll.u32 v4, $0x1  }
0x12a: {  	v13 =	vshll.u32 v5, $0x1;
	v4 =	vand.u32 $0xFFFFFF00, v4;
	v15 =	vld.idx.msk [tilespmem:v14+s24+$0x0], $0xffff  }
0x12b: {  	v13 =	vand.u32 $0xFFFFFF00, v13;
	v6 =	vor.u32 v6, v4;
	v4 =	vld.idx.msk [tilespmem:v3+s24+$0x0], $0xffff  }
0x12c: {  	v14 =	vor.u32 $0x80, v14;
	v16 =	vld.idx.msk [tilespmem:v12+s24+$0x0], $0xffff;
	[tilespmem:s18+$0x60] =	vst v7  }
0x12d: {  	v3 =	vor.u32 $0x80, v3;
	[tilespmem:s18+$0x80] =	vst v8;
	v7 =	vld.idx.msk [tilespmem:v10+s24+$0x0], $0xffff  }
0x12e: {  	v8 =	vor.u32 $0x80, v12;
	v12 =	vld.idx.msk [tilespmem:v18+s24+$0x0], $0xffff;
	[tilespmem:s18+$0xF0] =	vst v11  }
0x12f: {  	v11 =	vld.idx.msk [tilespmem:v9+s24+$0x0], $0xffff  }
0x130: {  	v19 =	vor.u32 $0x80, v10;
	v18 =	vor.u32 $0x80, v9;
	v17 =	vld [tilespmem:s3+$0x20];
	[tilespmem:s18+$0x50] =	vst v15  }
0x131: {  	[tilespmem:s18+$0x20] =	vst v4;
	v14 =	vld.idx.msk [tilespmem:v14+s24+$0x0], $0xffff  }
0x132: {  	v4 =	vand.u32 $0x7F, v5;
	v3 =	vld.idx.msk [tilespmem:v3+s24+$0x0], $0xffff;
	[tilespmem:s18+$0x30] =	vst v16  }
.Ltmp10:
0x133: {  	v10 =	vor.u32 v4, v13;
	v9 =	vld.idx.msk [tilespmem:v8+s24+$0x0], $0xffff;
	[tilespmem:s18+$0x40] =	vst v7;
	(pc) =	sbr.rel @p2 .LBB2_15-.Ltmp10, $4  }
0x134: {  	v8 =	vld [tilespmem:s3+$0x0];
	[tilespmem:s18+$0xE0] =	vst v12  }
0x135: {  	v5 =	vshll.u32 v17, $0x1;
	[tilespmem:s18+$0x10] =	vst v11;
	v4 =	vld.idx.msk [tilespmem:v19+s24+$0x0], $0xffff  }
0x136: {  	v11 =	vand.u32 $0xFFFFFF00, v5;
	v5 =	vld.idx.msk [tilespmem:v18+s24+$0x0], $0xffff  }
0x137: {  	v12 =	vand.u32 $0x7F, v17;
	v7 =	vld [tilespmem:s3+$0xFFFFFFD0];
	[tilespmem:s18+$0xD0] =	vst v14  }
0x138: {  	_ =	sdelay $0x2  }
0x139: {  	v13 =	vor.u32 $0x80, v10  }
0x13a: {  	v44 =	vld.idx.msk [tilespmem:v10+s24+$0x0], $0xffff;
	v14 =	vshll.u32 v2, $0x1;
	v15 =	vor.u32 $0x80, v6;
	v11 =	vor.u32 v12, v11  }
0x13b: {  	v46 =	vand.u32 $0x7F, v2;
	v47 =	vld.idx.msk [tilespmem:v6+s24+$0x0], $0xffff;
	v16 =	vand.u32 $0x7F, v1;
	v48 =	vshll.u32 v1, $0x1  }
0x13c: {  	v49 =	vshll.u32 v0, $0x1;
	v52 =	vand.u32 $0x7F, v0;
	v14 =	vand.u32 $0xFFFFFF00, v14  }
0x13d: {  	v45 =	vand.u32 $0x7F, v8;
	v1 =	vand.u32 $0xFFFFFF00, v48;
	v2 =	vor.u32 v46, v14  }
0x13e: {  	s3 =	sadd.s32 $0x100, s18;
	[tilespmem:s11+$0xB0] =	vst v9;
	v50 =	vshll.u32 v8, $0x1;
	v51 =	vand.u32 $0xFFFFFF00, v49;
	v1 =	vor.u32 v16, v1  }
0x13f: {  	v0 =	vor.u32 v52, v51;
	v8 =	vand.u32 $0xFFFFFF00, v50;
	v53 =	vshll.u32 v7, $0x1;
	[tilespmem:s3+$0x0] =	vst v44;
	v54 =	vld.idx.msk [tilespmem:v11+s24+$0x0], $0xffff  }
0x140: {  	v8 =	vor.u32 v45, v8;
	v55 =	vand.u32 $0x7F, v7;
	v10 =	vand.u32 $0xFFFFFF00, v53;
	[tilespmem:s3+$0x70] =	vst v47;
	v13 =	vld.idx.msk [tilespmem:v13+s24+$0x0], $0xffff  }
0x141: {  	[tilespmem:s11+$0xA0] =	vst v3;
	v56 =	vor.u32 v55, v10;
	v6 =	vld.idx.msk [tilespmem:v15+s24+$0x0], $0xffff  }
0x142: {  	v57 =	vor.u32 $0x80, v11;
	[tilespmem:s11+$0xC0] =	vst v4;
	v58 =	vld.idx.msk [tilespmem:v2+s24+$0x0], $0xffff  }
0x143: {  	[tilespmem:s11+$0x90] =	vst v5;
	v59 =	vld.idx.msk [tilespmem:v1+s24+$0x0], $0xffff;
	v2 =	vor.u32 $0x80, v2  }
0x144: {  	v60 =	vld.idx.msk [tilespmem:v0+s24+$0x0], $0xffff;
	v1 =	vor.u32 $0x80, v1;
	[tilespmem:s3+$0x60] =	vst v54  }
0x145: {  	v0 =	vor.u32 $0x80, v0;
	v61 =	vld.idx.msk [tilespmem:v8+s24+$0x0], $0xffff;
	[tilespmem:s3+$0x80] =	vst v13  }
0x146: {  	v8 =	vor.u32 $0x80, v8;
	[tilespmem:s3+$0xF0] =	vst v6;
	v62 =	vld.idx.msk [tilespmem:v56+s24+$0x0], $0xffff  }
0x147: {  	v3 =	vor.u32 $0x80, v56;
	v7 =	vld.idx.msk [tilespmem:v57+s24+$0x0], $0xffff;
	[tilespmem:s3+$0x50] =	vst v58  }
0x148: {  	[tilespmem:s3+$0x30] =	vst v59;
	v2 =	vld.idx.msk [tilespmem:v2+s24+$0x0], $0xffff  }
0x149: {  	[tilespmem:s3+$0x20] =	vst v60;
	v1 =	vld.idx.msk [tilespmem:v1+s24+$0x0], $0xffff  }
0x14a: {  	v0 =	vld.idx.msk [tilespmem:v0+s24+$0x0], $0xffff;
	[tilespmem:s3+$0x40] =	vst v61  }
0x14b: {  	v63 =	vld.idx.msk [tilespmem:v8+s24+$0x0], $0xffff;
	[tilespmem:s3+$0x10] =	vst v62  }
0x14c: {  	[tilespmem:s3+$0xE0] =	vst v7;
	v3 =	vld.idx.msk [tilespmem:v3+s24+$0x0], $0xffff  }
0x14d: {  	[tilespmem:s3+$0xD0] =	vst v2  }
.Ltmp11:
0x14e: {  	[tilespmem:s3+$0xB0] =	vst v1;
	(pc) =	sbr.rel @p1 .LBB2_18-.Ltmp11, $4  }
0x14f: {  	[tilespmem:s3+$0xA0] =	vst v0  }
0x150: {  	[tilespmem:s3+$0xC0] =	vst v63  }
0x151: {  	s18 =	sadd.s32 s9, s14;
	[tilespmem:s3+$0x90] =	vst v3  }
0x152: {  	[hbm4b:s18+s20] =	stream.strided.scatter [tilespmem:s2], [sflag:$0x7], $0x2000, s21, s20, $0x38;
	[tilespmem:$0x11000] =	vst v63  }
.Ltmp12:
0x153: {  	(pc) =	sbr.rel .LBB2_19-.Ltmp12, $4  }
0x154: {  	_ = 	snop  }
0x155: {  	_ =	swait.ge [sflag:s4], $0x2000  }
0x156: {  	[sflag:s4] =	ssyncset.done $0x0  }
0x157: {  	[sflag:s4] =	ssyncadd.s32 $0xFFFFE000  }
.LBB2_18:
0x158: {  	s3 =	rddreg [dreg:$0xa]  }
.Ltmp13:
0x159: {  	s3 =	sadd.s32 s19, s3;
	(pc) =	sbr.rel @p0 .LBB2_20-.Ltmp13, $4  }
0x15a: {  	[tilespmem:s24], [sflag:$0x3] =	stream.strided.gather [hbm4b:s3+s20], $0x2000, s21, s20, $0x38;
	[tilespmem:$0x11000] =	vst v63  }
0x15b: {  	_ =	swait.ge [sflag:s4], $0x2000  }
0x15c: {  	[sflag:s4] =	ssyncset.done $0x0  }
0x15d: {  	[sflag:s4] =	ssyncadd.s32 $0xFFFFE000  }
.LBB2_19:
0x15e: {  	_ =	swait.ge [sflag:s7], $0x2000  }
0x15f: {  	[sflag:s7] =	ssyncset.done $0x0  }
0x160: {  	[sflag:s7] =	ssyncadd.s32 $0xFFFFE000  }
.LBB2_20:
0x161: {  	s3 =	simm.s32 $0x40  }
0x162: {  	v0 =	vld [tilespmem:s3+$0xFFFFFFC0]  }
0x163: {  	v1 =	vld [tilespmem:s3+$0x30];
	_ =	sdelay $0x3  }
0x164: {  	v4 =	vld [tilespmem:s3+$0x20];
	v2 =	vshll.u32 v0, $0x1  }
0x165: {  	v5 =	vld [tilespmem:s3+$0xFFFFFFE0];
	v3 =	vshll.u32 v1, $0x1;
	v0 =	vand.u32 $0x7F, v0;
	v2 =	vand.u32 $0xFFFFFF00, v2  }
0x166: {  	v1 =	vand.u32 $0x7F, v1;
	v3 =	vand.u32 $0xFFFFFF00, v3;
	v0 =	vor.u32 v0, v2  }
0x167: {  	v6 =	vld [tilespmem:s3+$0x0];
	v1 =	vor.u32 v1, v3  }
0x168: {  	v3 =	vld [tilespmem:s3+$0x10]  }
0x169: {  	v7 =	vshll.u32 v4, $0x1;
	v2 =	vld [tilespmem:s3+$0xFFFFFFF0]  }
0x16a: {  	v8 =	vld [tilespmem:s3+$0xFFFFFFD0];
	v4 =	vand.u32 $0x7F, v4;
	v14 =	vshll.u32 v5, $0x1;
	v7 =	vand.u32 $0xFFFFFF00, v7  }
0x16b: {  	v5 =	vand.u32 $0x7F, v5;
	v14 =	vand.u32 $0xFFFFFF00, v14;
	v4 =	vor.u32 v4, v7;
	v9 =	vld.idx.msk [tilespmem:v0+s25+$0x0], $0xffff  }
0x16c: {  	s3 =	simm.s32 $0xC0;
	v5 =	vor.u32 v5, v14;
	v10 =	vor.u32 $0x80, v0;
	v7 =	vld.idx.msk [tilespmem:v1+s25+$0x0], $0xffff  }
0x16d: {  	v12 =	vor.u32 $0x80, v1;
	v15 =	vld [tilespmem:s3+$0x30];
	v11 =	vshll.u32 v3, $0x1;
	v3 =	vand.u32 $0x7F, v3  }
0x16e: {  	v16 =	vld [tilespmem:s3+$0xFFFFFFC0];
	v13 =	vand.u32 $0x7F, v2;
	v2 =	vshll.u32 v2, $0x1;
	v11 =	vand.u32 $0xFFFFFF00, v11  }
0x16f: {  	s18 =	simm.s32 $0xF000;
	v18 =	vld [tilespmem:s3+$0x20];
	v2 =	vand.u32 $0xFFFFFF00, v2;
	v3 =	vor.u32 v3, v11;
	v11 =	vshll.u32 v6, $0x1  }
0x170: {  	v6 =	vand.u32 $0x7F, v6;
	v13 =	vor.u32 v13, v2;
	v2 =	vand.u32 $0xFFFFFF00, v11;
	[tilespmem:s18+$0x0] =	vst v9;
	v9 =	vld.idx.msk [tilespmem:v4+s25+$0x0], $0xffff  }
0x171: {  	v6 =	vor.u32 v6, v2;
	[tilespmem:s18+$0x70] =	vst v7;
	v7 =	vshll.u32 v8, $0x1;
	v10 =	vld.idx.msk [tilespmem:v10+s25+$0x0], $0xffff  }
0x172: {  	v4 =	vor.u32 $0x80, v4;
	v8 =	vand.u32 $0x7F, v8;
	v11 =	vld.idx.msk [tilespmem:v12+s25+$0x0], $0xffff;
	v7 =	vand.u32 $0xFFFFFF00, v7  }
0x173: {  	v12 =	vld.idx.msk [tilespmem:v5+s25+$0x0], $0xffff;
	v7 =	vor.u32 v8, v7  }
0x174: {  	v8 =	vld.idx.msk [tilespmem:v3+s25+$0x0], $0xffff  }
0x175: {  	v14 =	vld.idx.msk [tilespmem:v13+s25+$0x0], $0xffff;
	v3 =	vor.u32 $0x80, v3  }
0x176: {  	v5 =	vor.u32 $0x80, v5;
	v17 =	vld.idx.msk [tilespmem:v6+s25+$0x0], $0xffff;
	[tilespmem:s18+$0x60] =	vst v9  }
0x177: {  	v9 =	vor.u32 $0x80, v13;
	v13 =	vld.idx.msk [tilespmem:v4+s25+$0x0], $0xffff  }
0x178: {  	v6 =	vor.u32 $0x80, v6;
	[tilespmem:s18+$0x80] =	vst v10;
	v4 =	vld.idx.msk [tilespmem:v7+s25+$0x0], $0xffff  }
0x179: {  	v0 =	vld [tilespmem:s3+$0xFFFFFFE0];
	[tilespmem:s18+$0x50] =	vst v8  }
0x17a: {  	[tilespmem:s18+$0x20] =	vst v12;
	v19 =	vld.idx.msk [tilespmem:v3+s25+$0x0], $0xffff  }
0x17b: {  	[tilespmem:s18+$0xF0] =	vst v11;
	v10 =	vshll.u32 v16, $0x1;
	v3 =	vld.idx.msk [tilespmem:v5+s25+$0x0], $0xffff;
	v5 =	vshll.u32 v15, $0x1  }
0x17c: {  	v2 =	vld [tilespmem:s3+$0x10];
	v11 =	vand.u32 $0x7F, v15;
	v7 =	vor.u32 $0x80, v7;
	[tilespmem:s18+$0x40] =	vst v17;
	v5 =	vand.u32 $0xFFFFFF00, v5  }
0x17d: {  	v10 =	vand.u32 $0xFFFFFF00, v10;
	[tilespmem:s18+$0x10] =	vst v4;
	v4 =	vld.idx.msk [tilespmem:v6+s25+$0x0], $0xffff;
	v6 =	vor.u32 v11, v5;
	v11 =	vand.u32 $0x7F, v16  }
0x17e: {  	[tilespmem:s18+$0x30] =	vst v14;
	v8 =	vld [tilespmem:s3+$0x0];
	v10 =	vor.u32 v11, v10  }
0x17f: {  	v9 =	vld.idx.msk [tilespmem:v9+s25+$0x0], $0xffff  }
0x180: {  	v1 =	vld [tilespmem:s3+$0xFFFFFFF0]  }
0x181: {  	v12 =	vshll.u32 v18, $0x1;
	[tilespmem:s18+$0xE0] =	vst v13;
	v5 =	vld.idx.msk [tilespmem:v7+s25+$0x0], $0xffff  }
0x182: {  	s13 =	simm.s32 $0x80;
	s11 =	simm.s32 $0xF000;
	v11 =	vand.u32 $0xFFFFFF00, v12;
	v7 =	vld [tilespmem:s3+$0xFFFFFFD0];
	v12 =	vand.u32 $0x7F, v18;
	[tilespmem:s18+$0xD0] =	vst v19  }
.LBB2_21:
0x183: {  	s13 =	sadd.s32 $0x80, s13;
	v13 =	vld.idx.msk [tilespmem:v10+s25+$0x0], $0xffff;
	v10 =	vor.u32 $0x80, v10;
	v14 =	vshll.u32 v2, $0x1;
	v15 =	vor.u32 $0x80, v6;
	s18 =	sadd.s32 $0x100, s18  }
0x184: {  	v2 =	vand.u32 $0x7F, v2;
	v11 =	vor.u32 v12, v11;
	s3 =	sadd.s32 $0x80, s3;
	p0 =	slt.u32 s13, $0xF80;
	v16 =	vand.u32 $0x7F, v8;
	v6 =	vld.idx.msk [tilespmem:v6+s25+$0x0], $0xffff;
	[tilespmem:s11+$0xB0] =	vst v9  }
0x185: {  	v12 =	vand.u32 $0x7F, v1;
	v17 =	vshll.u32 v1, $0x1;
	v18 =	vor.u32 $0x80, v11;
	v9 =	vld [tilespmem:s3+$0xFFFFFFE0];
	[tilespmem:s11+$0xA0] =	vst v3  }
0x186: {  	v17 =	vand.u32 $0xFFFFFF00, v17;
	v8 =	vshll.u32 v8, $0x1;
	v3 =	vshll.u32 v0, $0x1;
	v1 =	vld [tilespmem:s3+$0xFFFFFFF0];
	[tilespmem:s11+$0xC0] =	vst v4  }
0x187: {  	v14 =	vand.u32 $0xFFFFFF00, v14;
	v3 =	vand.u32 $0xFFFFFF00, v3;
	v4 =	vld [tilespmem:s3+$0x30];
	v19 =	vand.u32 $0x7F, v7;
	[tilespmem:s11+$0x90] =	vst v5;
	s11 =	smov.u32 s18  }
0x188: {  	v20 =	vand.u32 $0x7F, v0;
	v12 =	vor.u32 v12, v17;
	v14 =	vor.u32 v2, v14;
	v5 =	vld [tilespmem:s3+$0xFFFFFFC0]  }
0x189: {  	v2 =	vshll.u32 v7, $0x1;
	v3 =	vor.u32 v20, v3;
	[tilespmem:s18+$0x0] =	vst v13;
	v13 =	vand.u32 $0xFFFFFF00, v8;
	v7 =	vld.idx.msk [tilespmem:v11+s25+$0x0], $0xffff  }
0x18a: {  	v2 =	vand.u32 $0xFFFFFF00, v2;
	v8 =	vld.idx.msk [tilespmem:v10+s25+$0x0], $0xffff;
	v10 =	vor.u32 v16, v13;
	[tilespmem:s18+$0x70] =	vst v6;
	v0 =	vmov v9  }
0x18b: {  	v9 =	vor.u32 v19, v2;
	v11 =	vld.idx.msk [tilespmem:v15+s25+$0x0], $0xffff  }
0x18c: {  	v2 =	vld [tilespmem:s3+$0x10];
	v6 =	vand.u32 $0x7F, v4;
	v4 =	vshll.u32 v4, $0x1  }
0x18d: {  	v13 =	vshll.u32 v5, $0x1;
	v4 =	vand.u32 $0xFFFFFF00, v4;
	v15 =	vld.idx.msk [tilespmem:v14+s25+$0x0], $0xffff  }
0x18e: {  	v13 =	vand.u32 $0xFFFFFF00, v13;
	v6 =	vor.u32 v6, v4;
	v4 =	vld.idx.msk [tilespmem:v3+s25+$0x0], $0xffff  }
0x18f: {  	v14 =	vor.u32 $0x80, v14;
	v16 =	vld.idx.msk [tilespmem:v12+s25+$0x0], $0xffff;
	[tilespmem:s18+$0x60] =	vst v7  }
0x190: {  	v3 =	vor.u32 $0x80, v3;
	[tilespmem:s18+$0x80] =	vst v8;
	v7 =	vld.idx.msk [tilespmem:v10+s25+$0x0], $0xffff  }
0x191: {  	v8 =	vor.u32 $0x80, v12;
	v12 =	vld.idx.msk [tilespmem:v18+s25+$0x0], $0xffff;
	[tilespmem:s18+$0xF0] =	vst v11  }
0x192: {  	v11 =	vld.idx.msk [tilespmem:v9+s25+$0x0], $0xffff  }
0x193: {  	v19 =	vor.u32 $0x80, v10;
	v18 =	vor.u32 $0x80, v9;
	v17 =	vld [tilespmem:s3+$0x20];
	[tilespmem:s18+$0x50] =	vst v15  }
0x194: {  	[tilespmem:s18+$0x20] =	vst v4;
	v14 =	vld.idx.msk [tilespmem:v14+s25+$0x0], $0xffff  }
0x195: {  	v4 =	vand.u32 $0x7F, v5;
	v3 =	vld.idx.msk [tilespmem:v3+s25+$0x0], $0xffff;
	[tilespmem:s18+$0x30] =	vst v16  }
.Ltmp14:
0x196: {  	v10 =	vor.u32 v4, v13;
	v9 =	vld.idx.msk [tilespmem:v8+s25+$0x0], $0xffff;
	[tilespmem:s18+$0x40] =	vst v7;
	(pc) =	sbr.rel @p0 .LBB2_21-.Ltmp14, $4  }
0x197: {  	v8 =	vld [tilespmem:s3+$0x0];
	[tilespmem:s18+$0xE0] =	vst v12  }
0x198: {  	v5 =	vshll.u32 v17, $0x1;
	[tilespmem:s18+$0x10] =	vst v11;
	v4 =	vld.idx.msk [tilespmem:v19+s25+$0x0], $0xffff  }
0x199: {  	v11 =	vand.u32 $0xFFFFFF00, v5;
	v5 =	vld.idx.msk [tilespmem:v18+s25+$0x0], $0xffff  }
0x19a: {  	v12 =	vand.u32 $0x7F, v17;
	v7 =	vld [tilespmem:s3+$0xFFFFFFD0];
	[tilespmem:s18+$0xD0] =	vst v14  }
0x19b: {  	_ =	sdelay $0x2  }
0x19c: {  	v13 =	vor.u32 $0x80, v10  }
0x19d: {  	v44 =	vld.idx.msk [tilespmem:v10+s25+$0x0], $0xffff;
	v14 =	vshll.u32 v2, $0x1;
	v15 =	vor.u32 $0x80, v6;
	v11 =	vor.u32 v12, v11  }
0x19e: {  	v46 =	vand.u32 $0x7F, v2;
	v47 =	vld.idx.msk [tilespmem:v6+s25+$0x0], $0xffff;
	v16 =	vand.u32 $0x7F, v1;
	v48 =	vshll.u32 v1, $0x1  }
0x19f: {  	v49 =	vshll.u32 v0, $0x1;
	v52 =	vand.u32 $0x7F, v0;
	v14 =	vand.u32 $0xFFFFFF00, v14  }
0x1a0: {  	v45 =	vand.u32 $0x7F, v8;
	v1 =	vand.u32 $0xFFFFFF00, v48;
	v2 =	vor.u32 v46, v14  }
0x1a1: {  	s3 =	sadd.s32 $0x100, s18;
	[tilespmem:s11+$0xB0] =	vst v9;
	v50 =	vshll.u32 v8, $0x1;
	v51 =	vand.u32 $0xFFFFFF00, v49;
	v1 =	vor.u32 v16, v1  }
0x1a2: {  	v0 =	vor.u32 v52, v51;
	v8 =	vand.u32 $0xFFFFFF00, v50;
	v53 =	vshll.u32 v7, $0x1;
	[tilespmem:s3+$0x0] =	vst v44;
	v54 =	vld.idx.msk [tilespmem:v11+s25+$0x0], $0xffff  }
0x1a3: {  	v8 =	vor.u32 v45, v8;
	v55 =	vand.u32 $0x7F, v7;
	v10 =	vand.u32 $0xFFFFFF00, v53;
	[tilespmem:s3+$0x70] =	vst v47;
	v13 =	vld.idx.msk [tilespmem:v13+s25+$0x0], $0xffff  }
0x1a4: {  	[tilespmem:s11+$0xA0] =	vst v3;
	v56 =	vor.u32 v55, v10;
	v6 =	vld.idx.msk [tilespmem:v15+s25+$0x0], $0xffff  }
0x1a5: {  	v57 =	vor.u32 $0x80, v11;
	[tilespmem:s11+$0xC0] =	vst v4;
	v58 =	vld.idx.msk [tilespmem:v2+s25+$0x0], $0xffff  }
0x1a6: {  	[tilespmem:s11+$0x90] =	vst v5;
	v59 =	vld.idx.msk [tilespmem:v1+s25+$0x0], $0xffff;
	v2 =	vor.u32 $0x80, v2  }
0x1a7: {  	v60 =	vld.idx.msk [tilespmem:v0+s25+$0x0], $0xffff;
	v1 =	vor.u32 $0x80, v1;
	[tilespmem:s3+$0x60] =	vst v54  }
0x1a8: {  	v0 =	vor.u32 $0x80, v0;
	v61 =	vld.idx.msk [tilespmem:v8+s25+$0x0], $0xffff;
	[tilespmem:s3+$0x80] =	vst v13  }
0x1a9: {  	v8 =	vor.u32 $0x80, v8;
	[tilespmem:s3+$0xF0] =	vst v6;
	v62 =	vld.idx.msk [tilespmem:v56+s25+$0x0], $0xffff  }
0x1aa: {  	v3 =	vor.u32 $0x80, v56;
	v7 =	vld.idx.msk [tilespmem:v57+s25+$0x0], $0xffff;
	[tilespmem:s3+$0x50] =	vst v58  }
0x1ab: {  	[tilespmem:s3+$0x30] =	vst v59;
	v2 =	vld.idx.msk [tilespmem:v2+s25+$0x0], $0xffff  }
0x1ac: {  	[tilespmem:s3+$0x20] =	vst v60;
	v1 =	vld.idx.msk [tilespmem:v1+s25+$0x0], $0xffff  }
0x1ad: {  	v0 =	vld.idx.msk [tilespmem:v0+s25+$0x0], $0xffff;
	[tilespmem:s3+$0x40] =	vst v61  }
0x1ae: {  	v63 =	vld.idx.msk [tilespmem:v8+s25+$0x0], $0xffff;
	[tilespmem:s3+$0x10] =	vst v62  }
0x1af: {  	[tilespmem:s3+$0xE0] =	vst v7;
	v3 =	vld.idx.msk [tilespmem:v3+s25+$0x0], $0xffff  }
0x1b0: {  	p0 =	seq.s32 s6, $0x1F;
	[tilespmem:s3+$0xD0] =	vst v2  }
.Ltmp15:
0x1b1: {  	[tilespmem:s3+$0xB0] =	vst v1;
	(pc) =	sbr.rel @p0 .LBB2_24-.Ltmp15, $4  }
0x1b2: {  	[tilespmem:s3+$0xA0] =	vst v0  }
0x1b3: {  	[tilespmem:s3+$0xC0] =	vst v63  }
0x1b4: {  	s18 =	sadd.s32 s9, s16;
	[tilespmem:s3+$0x90] =	vst v3  }
0x1b5: {  	[hbm4b:s18+s20] =	stream.strided.scatter [tilespmem:s8], [sflag:$0x8], $0x2000, s21, s20, $0x38;
	[tilespmem:$0x11000] =	vst v63  }
.Ltmp16:
0x1b6: {  	(pc) =	sbr.rel .LBB2_2-.Ltmp16, $3  }
0x1b7: {  	_ =	sdelay $0x1  }
0x1b8: {  	s3 =	sadd.s32 s19, s17;
	s6 =	sadd.s32 $0x1, s6  }
0x1b9: {  	[tilespmem:s25], [sflag:$0x4] =	stream.strided.gather [hbm4b:s3+s20], $0x2000, s21, s20, $0x38;
	[tilespmem:$0x11000] =	vst v63  }
.LBB2_25:
0x1ba: {  	_ =	sfence.sel $0x180000  }
0x1bb: {  	[bflag:$0x0] =	sbarrier.arrive $0xFFFF  }
0x1bc: {  	_ =	strace $0x90000047  }
0x1bd: {  	s0 =	stileid.u32;
	[bflag:$0x2] =	sbarrier.arrive $0xFFFF  }
0x1be: {  	p0 =	sne.s32 s0, $0x0;
	s0 =	rddreg [dreg:$0x3]  }
0x1bf: {  	s0 =	sadd.s32 @!p0 $0x100000, s0  }
0x1c0: {  	[sflag:s0] =	ssyncadd.tile.s32 @!p0 $0x1;
	_ =	shalt  }
.Lfunc_end2:
_tile_overlayer_lowered:
.L_overlay_start_2:
0x1c1: {  	(tag) =	ssettag $0x2  }
0x1c2: {  	s0 =	rddreg [dreg:$0x0];
	s2 =	stileid.u32  }
0x1c3: {  	s1 =	rddreg [dreg:$0x1];
	p0 =	sne.s32 s2, $0x0  }
0x1c4: {  	s3 =	rddreg [dreg:$0x2];
	[bflag:$0x3] =	sbarrier.arrive $0xFFFF;
	s2 =	simm.s32 @!p0 $0x1C09  }
0x1c5: {  	[timem:s3], [sflag:s2] =	dma.local @!p0 [hbm:s0], s1  }
0x1c6: {  	s0 =	simm.s32 @!p0 $0x9  }
0x1c7: {  	_ =	swait.ge @!p0 [sflag:s0], s1  }
0x1c8: {  	s1 =	ssub.s32 @!p0 $0x0, s1;
	[sflag:s0] =	ssyncset.done @!p0 $0x0  }
0x1c9: {  	[sflag:s0] =	ssyncadd.s32 @!p0 s1  }
0x1ca: {  	[bflag:$0x3] =	sbarrier.arrive $0xFFFF  }
0x1cb: {  	_ =	shalt  }

</sc_bundles>
